<compile_context>
chip_gen: v7x
topology: tpu7x:2x2x1
jax: 0.10.2.dev20260603
libtpu: 0.0.44.dev20260713+nightly
codegen_flags: <defaults>
</compile_context>

<pallas_src>
import jax
import jax.numpy as jnp
from jax import lax
from jax.experimental import pallas as pl
from jax.experimental.pallas import tpu as pltpu
from jax.experimental.pallas import tpu_sc as plsc

NC = 2
NS = 16
NW = NC * NS
B = 16384
D = 32
BPW = B // NW
CHUNK = 128
NCHUNK = BPW // CHUNK


def _gmf_body(user_hbm, item_hbm, uw_hbm, iw_hbm, params_hbm, out_hbm,
              uidx_v, iidx_v, urows_v, irows_v, params_v, out_v, sem):
    wid = lax.axis_index("s") * NC + lax.axis_index("c")
    pltpu.sync_copy(user_hbm.at[wid], uidx_v)
    pltpu.sync_copy(item_hbm.at[wid], iidx_v)
    pltpu.sync_copy(params_hbm, params_v)

    copies = []
    for j in range(NCHUNK):
        copies.append(pltpu.async_copy(
            uw_hbm.at[uidx_v.at[j]],
            urows_v.at[pl.ds(j * CHUNK, CHUNK)], sem))
        copies.append(pltpu.async_copy(
            iw_hbm.at[iidx_v.at[j]],
            irows_v.at[pl.ds(j * CHUNK, CHUNK)], sem))
    for c in copies:
        c.wait()

    w_lo = params_v[pl.ds(0, 16)]
    w_hi = params_v[pl.ds(16, 16)]
    bias = params_v[pl.ds(32, 16)][0]
    wd = [w_lo[d] for d in range(16)] + [w_hi[d - 16] for d in range(16, D)]
    lane = jnp.arange(16, dtype=jnp.int32)

    def body(g, carry):
        rows = g * 16 + lane
        acc = jnp.zeros((16,), jnp.float32)
        for d in range(D):
            col = jnp.full((16,), d, jnp.int32)
            u = plsc.load_gather(urows_v, [rows, col])
            i = plsc.load_gather(irows_v, [rows, col])
            acc = acc + (u * i) * wd[d]
        out_v[pl.ds(g * 16, 16)] = acc + bias
        return carry

    lax.fori_loop(0, BPW // 16, body, 0)
    pltpu.sync_copy(out_v, out_hbm.at[wid])


def kernel(user, item, embed_user_weight, embed_item_weight, predict_weight,
           predict_bias):
    user3 = user.reshape(NW, NCHUNK, CHUNK)
    item3 = item.reshape(NW, NCHUNK, CHUNK)
    params = jnp.concatenate([
        predict_weight.reshape(D), predict_bias,
        jnp.zeros((15,), jnp.float32)])
    mesh = plsc.VectorSubcoreMesh(core_axis_name="c", subcore_axis_name="s")
    k = pl.kernel(
        _gmf_body,
        out_type=jax.ShapeDtypeStruct((NW, BPW), jnp.float32),
        mesh=mesh,
        scratch_types=[
            pltpu.VMEM((NCHUNK, CHUNK), jnp.int32),
            pltpu.VMEM((NCHUNK, CHUNK), jnp.int32),
            pltpu.VMEM((BPW, D), jnp.float32),
            pltpu.VMEM((BPW, D), jnp.float32),
            pltpu.VMEM((48,), jnp.float32),
            pltpu.VMEM((BPW,), jnp.float32),
            pltpu.SemaphoreType.DMA,
        ],
        compiler_params=pltpu.CompilerParams(
            needs_layout_passes=False, use_tc_tiling_on_sc=False),
    )
    out = k(user3, item3, embed_user_weight, embed_item_weight, params)
    return out.reshape(B)

# --- scband reference (transcript-rebuilt; emitter-appended) ---
"""Pipeline reference for scband-gmf-86217173500414 (READ-ONLY COPY).

The authoritative reference and input builder live on the scoring server;
editing this copy changes nothing except your own understanding.
"""

import jax, jax.numpy as jnp
import numpy as np

USER_NUM = 1000000
ITEM_NUM = 1000000
EMBED_DIM = 32
BATCH = 16384


def setup_inputs(seed: int = 0) -> dict:
    key = jax.random.key(seed)
    k_user, k_item, k_eu, k_ei, k_w = jax.random.split(key, 5)
    user = jax.random.randint(k_user, (BATCH,), 0, USER_NUM, dtype=jnp.int64 if jax.config.jax_enable_x64 else jnp.int32).astype(jnp.int32)
    item = jax.random.randint(k_item, (BATCH,), 0, ITEM_NUM, dtype=jnp.int32)
    embed_user_weight = jax.random.normal(k_eu, (USER_NUM, EMBED_DIM), dtype=jnp.float32) * 0.01
    embed_item_weight = jax.random.normal(k_ei, (ITEM_NUM, EMBED_DIM), dtype=jnp.float32) * 0.01
    # kaiming uniform with a=1: bound = sqrt(6 / ((1 + a^2) * fan_in)) = sqrt(3/fan_in)
    bound = float(np.sqrt(3.0 / EMBED_DIM))
    predict_weight = jax.random.uniform(k_w, (1, EMBED_DIM), dtype=jnp.float32, minval=-bound, maxval=bound)
    predict_bias = jnp.zeros((1,), dtype=jnp.float32)
    return {
        "user": user,
        "item": item,
        "embed_user_weight": embed_user_weight,
        "embed_item_weight": embed_item_weight,
        "predict_weight": predict_weight,
        "predict_bias": predict_bias,
    }


def reference(user, item, embed_user_weight, embed_item_weight, predict_weight, predict_bias):
    embed_user = jnp.take(embed_user_weight, user, axis=0)
    embed_item = jnp.take(embed_item_weight, item, axis=0)
    output = embed_user * embed_item
    prediction = output @ predict_weight.T + predict_bias
    return prediction.reshape(-1)

if __name__ == "__main__":
    import jax
    _d = setup_inputs()
    print(jax.jit(kernel)(*tuple(_d.values())))

</pallas_src>

<mosaic_0001>
#map = affine_map<(d0, d1) -> (0, 0, 0)>
#map1 = affine_map<(d0, d1) -> (0, 0)>
#map2 = affine_map<(d0, d1) -> (0)>
module attributes {stable_mosaic.version = 14 : i64} {
  func.func @_gmf_body(%arg0: i32, %arg1: i32, %arg2: memref<32x4x128xi32, #tpu.memory_space<hbm>>, %arg3: memref<32x4x128xi32, #tpu.memory_space<hbm>>, %arg4: memref<1000000x32xf32, #tpu.memory_space<hbm>>, %arg5: memref<1000000x32xf32, #tpu.memory_space<hbm>>, %arg6: memref<48xf32, #tpu.memory_space<hbm>>, %arg7: memref<32x512xf32, #tpu.memory_space<hbm>>, %arg8: memref<4x128xi32, #tpu.memory_space<vmem>>, %arg9: memref<4x128xi32, #tpu.memory_space<vmem>>, %arg10: memref<512x32xf32, #tpu.memory_space<vmem>>, %arg11: memref<512x32xf32, #tpu.memory_space<vmem>>, %arg12: memref<48xf32, #tpu.memory_space<vmem>>, %arg13: memref<512xf32, #tpu.memory_space<vmem>>, %arg14: memref<!tpu.dma_semaphore, #tpu.memory_space<semaphore_mem>>) attributes {dimension_semantics = [#tpu.dimension_semantics<core_parallel>, #tpu.dimension_semantics<subcore_parallel>], iteration_bounds = array<i64: 2, 16>, scalar_prefetch = 0 : i64, scratch_operands = 7 : i64, tpu.core_type = #tpu.core_type<sc_vector_subcore>, window_params = [{transform_indices = #map}, {transform_indices = #map}, {transform_indices = #map1}, {transform_indices = #map1}, {transform_indices = #map2}, {transform_indices = #map1}]} {
    %mul3A = arith.constant 2 : i32
    %mul3A_0 = arith.muli %arg1, %mul3A : i32
    %add3A = arith.addi %mul3A_0, %arg0 : i32
    "tpu.region"() ({
      %run_scoped3A = tpu.sem_alloc : memref<!tpu.dma_semaphore, #tpu.memory_space<semaphore_mem>>
      %dma_start3A_233 = arith.constant 0 : i32
      %dma_start3A_234 = arith.constant 0 : i32
      %dma_start3A_235 = tpu.memref_slice %arg2[%add3A, %dma_start3A_233, %dma_start3A_234] : memref<32x4x128xi32, #tpu.memory_space<hbm>> -> memref<1x4x128xi32, #tpu.memory_space<hbm>>
      %dma_start3A_236 = tpu.memref_squeeze %dma_start3A_235 : memref<1x4x128xi32, #tpu.memory_space<hbm>> -> memref<4x128xi32, #tpu.memory_space<hbm>>
      %dma_start3A_237 = arith.constant 0 : i32
      %dma_start3A_238 = arith.constant 0 : i32
      %dma_start3A_239 = tpu.memref_slice %arg2[%add3A, %dma_start3A_237, %dma_start3A_238] : memref<32x4x128xi32, #tpu.memory_space<hbm>> -> memref<1x4x128xi32, #tpu.memory_space<hbm>>
      %dma_start3A_240 = tpu.memref_squeeze %dma_start3A_239 : memref<1x4x128xi32, #tpu.memory_space<hbm>> -> memref<4x128xi32, #tpu.memory_space<hbm>>
      tpu.enqueue_dma source(%dma_start3A_240 : memref<4x128xi32, #tpu.memory_space<hbm>>) target(%arg8 : memref<4x128xi32, #tpu.memory_space<vmem>>) target_semaphore(%run_scoped3A : memref<!tpu.dma_semaphore, #tpu.memory_space<semaphore_mem>>)
      %dma_wait3A_241 = arith.constant 0 : i32
      %dma_wait3A_242 = arith.constant 0 : i32
      %dma_wait3A_243 = tpu.memref_slice %arg2[%add3A, %dma_wait3A_241, %dma_wait3A_242] : memref<32x4x128xi32, #tpu.memory_space<hbm>> -> memref<1x4x128xi32, #tpu.memory_space<hbm>>
      %dma_wait3A_244 = tpu.memref_squeeze %dma_wait3A_243 : memref<1x4x128xi32, #tpu.memory_space<hbm>> -> memref<4x128xi32, #tpu.memory_space<hbm>>
      %dma_wait3A_245 = arith.constant 0 : i32
      %dma_wait3A_246 = arith.constant 0 : i32
      %dma_wait3A_247 = tpu.memref_slice %arg2[%add3A, %dma_wait3A_245, %dma_wait3A_246] : memref<32x4x128xi32, #tpu.memory_space<hbm>> -> memref<1x4x128xi32, #tpu.memory_space<hbm>>
      %dma_wait3A_248 = tpu.memref_squeeze %dma_wait3A_247 : memref<1x4x128xi32, #tpu.memory_space<hbm>> -> memref<4x128xi32, #tpu.memory_space<hbm>>
      tpu.wait_dma2 semaphore(%run_scoped3A : memref<!tpu.dma_semaphore, #tpu.memory_space<semaphore_mem>>) src(%dma_wait3A_248 : memref<4x128xi32, #tpu.memory_space<hbm>>) dst(%arg8 : memref<4x128xi32, #tpu.memory_space<vmem>>)
      tpu.yield
    }) : () -> ()
    "tpu.region"() ({
      %run_scoped3A = tpu.sem_alloc : memref<!tpu.dma_semaphore, #tpu.memory_space<semaphore_mem>>
      %dma_start3A_233 = arith.constant 0 : i32
      %dma_start3A_234 = arith.constant 0 : i32
      %dma_start3A_235 = tpu.memref_slice %arg3[%add3A, %dma_start3A_233, %dma_start3A_234] : memref<32x4x128xi32, #tpu.memory_space<hbm>> -> memref<1x4x128xi32, #tpu.memory_space<hbm>>
      %dma_start3A_236 = tpu.memref_squeeze %dma_start3A_235 : memref<1x4x128xi32, #tpu.memory_space<hbm>> -> memref<4x128xi32, #tpu.memory_space<hbm>>
      %dma_start3A_237 = arith.constant 0 : i32
      %dma_start3A_238 = arith.constant 0 : i32
      %dma_start3A_239 = tpu.memref_slice %arg3[%add3A, %dma_start3A_237, %dma_start3A_238] : memref<32x4x128xi32, #tpu.memory_space<hbm>> -> memref<1x4x128xi32, #tpu.memory_space<hbm>>
      %dma_start3A_240 = tpu.memref_squeeze %dma_start3A_239 : memref<1x4x128xi32, #tpu.memory_space<hbm>> -> memref<4x128xi32, #tpu.memory_space<hbm>>
      tpu.enqueue_dma source(%dma_start3A_240 : memref<4x128xi32, #tpu.memory_space<hbm>>) target(%arg9 : memref<4x128xi32, #tpu.memory_space<vmem>>) target_semaphore(%run_scoped3A : memref<!tpu.dma_semaphore, #tpu.memory_space<semaphore_mem>>)
      %dma_wait3A_241 = arith.constant 0 : i32
      %dma_wait3A_242 = arith.constant 0 : i32
      %dma_wait3A_243 = tpu.memref_slice %arg3[%add3A, %dma_wait3A_241, %dma_wait3A_242] : memref<32x4x128xi32, #tpu.memory_space<hbm>> -> memref<1x4x128xi32, #tpu.memory_space<hbm>>
      %dma_wait3A_244 = tpu.memref_squeeze %dma_wait3A_243 : memref<1x4x128xi32, #tpu.memory_space<hbm>> -> memref<4x128xi32, #tpu.memory_space<hbm>>
      %dma_wait3A_245 = arith.constant 0 : i32
      %dma_wait3A_246 = arith.constant 0 : i32
      %dma_wait3A_247 = tpu.memref_slice %arg3[%add3A, %dma_wait3A_245, %dma_wait3A_246] : memref<32x4x128xi32, #tpu.memory_space<hbm>> -> memref<1x4x128xi32, #tpu.memory_space<hbm>>
      %dma_wait3A_248 = tpu.memref_squeeze %dma_wait3A_247 : memref<1x4x128xi32, #tpu.memory_space<hbm>> -> memref<4x128xi32, #tpu.memory_space<hbm>>
      tpu.wait_dma2 semaphore(%run_scoped3A : memref<!tpu.dma_semaphore, #tpu.memory_space<semaphore_mem>>) src(%dma_wait3A_248 : memref<4x128xi32, #tpu.memory_space<hbm>>) dst(%arg9 : memref<4x128xi32, #tpu.memory_space<vmem>>)
      tpu.yield
    }) : () -> ()
    "tpu.region"() ({
      %run_scoped3A = tpu.sem_alloc : memref<!tpu.dma_semaphore, #tpu.memory_space<semaphore_mem>>
      tpu.enqueue_dma source(%arg6 : memref<48xf32, #tpu.memory_space<hbm>>) target(%arg12 : memref<48xf32, #tpu.memory_space<vmem>>) target_semaphore(%run_scoped3A : memref<!tpu.dma_semaphore, #tpu.memory_space<semaphore_mem>>)
      tpu.wait_dma2 semaphore(%run_scoped3A : memref<!tpu.dma_semaphore, #tpu.memory_space<semaphore_mem>>) src(%arg6 : memref<48xf32, #tpu.memory_space<hbm>>) dst(%arg12 : memref<48xf32, #tpu.memory_space<vmem>>)
      tpu.yield
    }) : () -> ()
    %dma_start3A = arith.constant 0 : i32
    %dma_start3A_1 = arith.constant 0 : i32
    %dma_start3A_2 = arith.constant 0 : i32
    %dma_start3A_3 = tpu.memref_slice %arg10[%dma_start3A_1, %dma_start3A_2] : memref<512x32xf32, #tpu.memory_space<vmem>> -> memref<128x32xf32, #tpu.memory_space<vmem>>
    %dma_start3A_4 = arith.constant 0 : i32
    %dma_start3A_5 = tpu.memref_slice %arg8[%dma_start3A, %dma_start3A_4] : memref<4x128xi32, #tpu.memory_space<vmem>> -> memref<1x128xi32, #tpu.memory_space<vmem>>
    %dma_start3A_6 = tpu.memref_squeeze %dma_start3A_5 : memref<1x128xi32, #tpu.memory_space<vmem>> -> memref<128xi32, #tpu.memory_space<vmem>>
    %dma_start3A_7 = arith.constant 0 : i32
    %dma_start3A_8 = arith.constant 0 : i32
    %dma_start3A_9 = tpu.memref_slice %arg4[%dma_start3A_7, %dma_start3A_8] : memref<1000000x32xf32, #tpu.memory_space<hbm>> -> memref<1000000x32xf32, #tpu.memory_space<hbm>>
    tpu.enqueue_indirect_dma source(%dma_start3A_9 : memref<1000000x32xf32, #tpu.memory_space<hbm>>) target(%dma_start3A_3 : memref<128x32xf32, #tpu.memory_space<vmem>>) offsets(%dma_start3A_6 : memref<128xi32, #tpu.memory_space<vmem>>) semaphore(%arg14 : memref<!tpu.dma_semaphore, #tpu.memory_space<semaphore_mem>>)
    %dma_start3A_10 = arith.constant 0 : i32
    %dma_start3A_11 = arith.constant 0 : i32
    %dma_start3A_12 = arith.constant 0 : i32
    %dma_start3A_13 = tpu.memref_slice %arg11[%dma_start3A_11, %dma_start3A_12] : memref<512x32xf32, #tpu.memory_space<vmem>> -> memref<128x32xf32, #tpu.memory_space<vmem>>
    %dma_start3A_14 = arith.constant 0 : i32
    %dma_start3A_15 = tpu.memref_slice %arg9[%dma_start3A_10, %dma_start3A_14] : memref<4x128xi32, #tpu.memory_space<vmem>> -> memref<1x128xi32, #tpu.memory_space<vmem>>
    %dma_start3A_16 = tpu.memref_squeeze %dma_start3A_15 : memref<1x128xi32, #tpu.memory_space<vmem>> -> memref<128xi32, #tpu.memory_space<vmem>>
    %dma_start3A_17 = arith.constant 0 : i32
    %dma_start3A_18 = arith.constant 0 : i32
    %dma_start3A_19 = tpu.memref_slice %arg5[%dma_start3A_17, %dma_start3A_18] : memref<1000000x32xf32, #tpu.memory_space<hbm>> -> memref<1000000x32xf32, #tpu.memory_space<hbm>>
    tpu.enqueue_indirect_dma source(%dma_start3A_19 : memref<1000000x32xf32, #tpu.memory_space<hbm>>) target(%dma_start3A_13 : memref<128x32xf32, #tpu.memory_space<vmem>>) offsets(%dma_start3A_16 : memref<128xi32, #tpu.memory_space<vmem>>) semaphore(%arg14 : memref<!tpu.dma_semaphore, #tpu.memory_space<semaphore_mem>>)
    %dma_start3A_20 = arith.constant 1 : i32
    %dma_start3A_21 = arith.constant 128 : i32
    %dma_start3A_22 = arith.constant 0 : i32
    %dma_start3A_23 = tpu.memref_slice %arg10[%dma_start3A_21, %dma_start3A_22] : memref<512x32xf32, #tpu.memory_space<vmem>> -> memref<128x32xf32, #tpu.memory_space<vmem>>
    %dma_start3A_24 = arith.constant 0 : i32
    %dma_start3A_25 = tpu.memref_slice %arg8[%dma_start3A_20, %dma_start3A_24] : memref<4x128xi32, #tpu.memory_space<vmem>> -> memref<1x128xi32, #tpu.memory_space<vmem>>
    %dma_start3A_26 = tpu.memref_squeeze %dma_start3A_25 : memref<1x128xi32, #tpu.memory_space<vmem>> -> memref<128xi32, #tpu.memory_space<vmem>>
    %dma_start3A_27 = arith.constant 0 : i32
    %dma_start3A_28 = arith.constant 0 : i32
    %dma_start3A_29 = tpu.memref_slice %arg4[%dma_start3A_27, %dma_start3A_28] : memref<1000000x32xf32, #tpu.memory_space<hbm>> -> memref<1000000x32xf32, #tpu.memory_space<hbm>>
    tpu.enqueue_indirect_dma source(%dma_start3A_29 : memref<1000000x32xf32, #tpu.memory_space<hbm>>) target(%dma_start3A_23 : memref<128x32xf32, #tpu.memory_space<vmem>>) offsets(%dma_start3A_26 : memref<128xi32, #tpu.memory_space<vmem>>) semaphore(%arg14 : memref<!tpu.dma_semaphore, #tpu.memory_space<semaphore_mem>>)
    %dma_start3A_30 = arith.constant 1 : i32
    %dma_start3A_31 = arith.constant 128 : i32
    %dma_start3A_32 = arith.constant 0 : i32
    %dma_start3A_33 = tpu.memref_slice %arg11[%dma_start3A_31, %dma_start3A_32] : memref<512x32xf32, #tpu.memory_space<vmem>> -> memref<128x32xf32, #tpu.memory_space<vmem>>
    %dma_start3A_34 = arith.constant 0 : i32
    %dma_start3A_35 = tpu.memref_slice %arg9[%dma_start3A_30, %dma_start3A_34] : memref<4x128xi32, #tpu.memory_space<vmem>> -> memref<1x128xi32, #tpu.memory_space<vmem>>
    %dma_start3A_36 = tpu.memref_squeeze %dma_start3A_35 : memref<1x128xi32, #tpu.memory_space<vmem>> -> memref<128xi32, #tpu.memory_space<vmem>>
    %dma_start3A_37 = arith.constant 0 : i32
    %dma_start3A_38 = arith.constant 0 : i32
    %dma_start3A_39 = tpu.memref_slice %arg5[%dma_start3A_37, %dma_start3A_38] : memref<1000000x32xf32, #tpu.memory_space<hbm>> -> memref<1000000x32xf32, #tpu.memory_space<hbm>>
    tpu.enqueue_indirect_dma source(%dma_start3A_39 : memref<1000000x32xf32, #tpu.memory_space<hbm>>) target(%dma_start3A_33 : memref<128x32xf32, #tpu.memory_space<vmem>>) offsets(%dma_start3A_36 : memref<128xi32, #tpu.memory_space<vmem>>) semaphore(%arg14 : memref<!tpu.dma_semaphore, #tpu.memory_space<semaphore_mem>>)
    %dma_start3A_40 = arith.constant 2 : i32
    %dma_start3A_41 = arith.constant 256 : i32
    %dma_start3A_42 = arith.constant 0 : i32
    %dma_start3A_43 = tpu.memref_slice %arg10[%dma_start3A_41, %dma_start3A_42] : memref<512x32xf32, #tpu.memory_space<vmem>> -> memref<128x32xf32, #tpu.memory_space<vmem>>
    %dma_start3A_44 = arith.constant 0 : i32
    %dma_start3A_45 = tpu.memref_slice %arg8[%dma_start3A_40, %dma_start3A_44] : memref<4x128xi32, #tpu.memory_space<vmem>> -> memref<1x128xi32, #tpu.memory_space<vmem>>
    %dma_start3A_46 = tpu.memref_squeeze %dma_start3A_45 : memref<1x128xi32, #tpu.memory_space<vmem>> -> memref<128xi32, #tpu.memory_space<vmem>>
    %dma_start3A_47 = arith.constant 0 : i32
    %dma_start3A_48 = arith.constant 0 : i32
    %dma_start3A_49 = tpu.memref_slice %arg4[%dma_start3A_47, %dma_start3A_48] : memref<1000000x32xf32, #tpu.memory_space<hbm>> -> memref<1000000x32xf32, #tpu.memory_space<hbm>>
    tpu.enqueue_indirect_dma source(%dma_start3A_49 : memref<1000000x32xf32, #tpu.memory_space<hbm>>) target(%dma_start3A_43 : memref<128x32xf32, #tpu.memory_space<vmem>>) offsets(%dma_start3A_46 : memref<128xi32, #tpu.memory_space<vmem>>) semaphore(%arg14 : memref<!tpu.dma_semaphore, #tpu.memory_space<semaphore_mem>>)
    %dma_start3A_50 = arith.constant 2 : i32
    %dma_start3A_51 = arith.constant 256 : i32
    %dma_start3A_52 = arith.constant 0 : i32
    %dma_start3A_53 = tpu.memref_slice %arg11[%dma_start3A_51, %dma_start3A_52] : memref<512x32xf32, #tpu.memory_space<vmem>> -> memref<128x32xf32, #tpu.memory_space<vmem>>
    %dma_start3A_54 = arith.constant 0 : i32
    %dma_start3A_55 = tpu.memref_slice %arg9[%dma_start3A_50, %dma_start3A_54] : memref<4x128xi32, #tpu.memory_space<vmem>> -> memref<1x128xi32, #tpu.memory_space<vmem>>
    %dma_start3A_56 = tpu.memref_squeeze %dma_start3A_55 : memref<1x128xi32, #tpu.memory_space<vmem>> -> memref<128xi32, #tpu.memory_space<vmem>>
    %dma_start3A_57 = arith.constant 0 : i32
    %dma_start3A_58 = arith.constant 0 : i32
    %dma_start3A_59 = tpu.memref_slice %arg5[%dma_start3A_57, %dma_start3A_58] : memref<1000000x32xf32, #tpu.memory_space<hbm>> -> memref<1000000x32xf32, #tpu.memory_space<hbm>>
    tpu.enqueue_indirect_dma source(%dma_start3A_59 : memref<1000000x32xf32, #tpu.memory_space<hbm>>) target(%dma_start3A_53 : memref<128x32xf32, #tpu.memory_space<vmem>>) offsets(%dma_start3A_56 : memref<128xi32, #tpu.memory_space<vmem>>) semaphore(%arg14 : memref<!tpu.dma_semaphore, #tpu.memory_space<semaphore_mem>>)
    %dma_start3A_60 = arith.constant 3 : i32
    %dma_start3A_61 = arith.constant 384 : i32
    %dma_start3A_62 = arith.constant 0 : i32
    %dma_start3A_63 = tpu.memref_slice %arg10[%dma_start3A_61, %dma_start3A_62] : memref<512x32xf32, #tpu.memory_space<vmem>> -> memref<128x32xf32, #tpu.memory_space<vmem>>
    %dma_start3A_64 = arith.constant 0 : i32
    %dma_start3A_65 = tpu.memref_slice %arg8[%dma_start3A_60, %dma_start3A_64] : memref<4x128xi32, #tpu.memory_space<vmem>> -> memref<1x128xi32, #tpu.memory_space<vmem>>
    %dma_start3A_66 = tpu.memref_squeeze %dma_start3A_65 : memref<1x128xi32, #tpu.memory_space<vmem>> -> memref<128xi32, #tpu.memory_space<vmem>>
    %dma_start3A_67 = arith.constant 0 : i32
    %dma_start3A_68 = arith.constant 0 : i32
    %dma_start3A_69 = tpu.memref_slice %arg4[%dma_start3A_67, %dma_start3A_68] : memref<1000000x32xf32, #tpu.memory_space<hbm>> -> memref<1000000x32xf32, #tpu.memory_space<hbm>>
    tpu.enqueue_indirect_dma source(%dma_start3A_69 : memref<1000000x32xf32, #tpu.memory_space<hbm>>) target(%dma_start3A_63 : memref<128x32xf32, #tpu.memory_space<vmem>>) offsets(%dma_start3A_66 : memref<128xi32, #tpu.memory_space<vmem>>) semaphore(%arg14 : memref<!tpu.dma_semaphore, #tpu.memory_space<semaphore_mem>>)
    %dma_start3A_70 = arith.constant 3 : i32
    %dma_start3A_71 = arith.constant 384 : i32
    %dma_start3A_72 = arith.constant 0 : i32
    %dma_start3A_73 = tpu.memref_slice %arg11[%dma_start3A_71, %dma_start3A_72] : memref<512x32xf32, #tpu.memory_space<vmem>> -> memref<128x32xf32, #tpu.memory_space<vmem>>
    %dma_start3A_74 = arith.constant 0 : i32
    %dma_start3A_75 = tpu.memref_slice %arg9[%dma_start3A_70, %dma_start3A_74] : memref<4x128xi32, #tpu.memory_space<vmem>> -> memref<1x128xi32, #tpu.memory_space<vmem>>
    %dma_start3A_76 = tpu.memref_squeeze %dma_start3A_75 : memref<1x128xi32, #tpu.memory_space<vmem>> -> memref<128xi32, #tpu.memory_space<vmem>>
    %dma_start3A_77 = arith.constant 0 : i32
    %dma_start3A_78 = arith.constant 0 : i32
    %dma_start3A_79 = tpu.memref_slice %arg5[%dma_start3A_77, %dma_start3A_78] : memref<1000000x32xf32, #tpu.memory_space<hbm>> -> memref<1000000x32xf32, #tpu.memory_space<hbm>>
    tpu.enqueue_indirect_dma source(%dma_start3A_79 : memref<1000000x32xf32, #tpu.memory_space<hbm>>) target(%dma_start3A_73 : memref<128x32xf32, #tpu.memory_space<vmem>>) offsets(%dma_start3A_76 : memref<128xi32, #tpu.memory_space<vmem>>) semaphore(%arg14 : memref<!tpu.dma_semaphore, #tpu.memory_space<semaphore_mem>>)
    %dma_wait3A = arith.constant 0 : i32
    %dma_wait3A_80 = arith.constant 0 : i32
    %dma_wait3A_81 = arith.constant 0 : i32
    %dma_wait3A_82 = tpu.memref_slice %arg10[%dma_wait3A_80, %dma_wait3A_81] : memref<512x32xf32, #tpu.memory_space<vmem>> -> memref<128x32xf32, #tpu.memory_space<vmem>>
    %dma_wait3A_83 = arith.constant 0 : i32
    %dma_wait3A_84 = tpu.memref_slice %arg8[%dma_wait3A, %dma_wait3A_83] : memref<4x128xi32, #tpu.memory_space<vmem>> -> memref<1x128xi32, #tpu.memory_space<vmem>>
    %dma_wait3A_85 = tpu.memref_squeeze %dma_wait3A_84 : memref<1x128xi32, #tpu.memory_space<vmem>> -> memref<128xi32, #tpu.memory_space<vmem>>
    %dma_wait3A_86 = arith.constant 0 : i32
    %dma_wait3A_87 = arith.constant 0 : i32
    %dma_wait3A_88 = tpu.memref_slice %arg4[%dma_wait3A_86, %dma_wait3A_87] : memref<1000000x32xf32, #tpu.memory_space<hbm>> -> memref<1000000x32xf32, #tpu.memory_space<hbm>>
    tpu.wait_indirect_dma semaphore(%arg14 : memref<!tpu.dma_semaphore, #tpu.memory_space<semaphore_mem>>) src(%dma_wait3A_88 : memref<1000000x32xf32, #tpu.memory_space<hbm>>) dst(%dma_wait3A_82 : memref<128x32xf32, #tpu.memory_space<vmem>>)
    %dma_wait3A_89 = arith.constant 0 : i32
    %dma_wait3A_90 = arith.constant 0 : i32
    %dma_wait3A_91 = arith.constant 0 : i32
    %dma_wait3A_92 = tpu.memref_slice %arg11[%dma_wait3A_90, %dma_wait3A_91] : memref<512x32xf32, #tpu.memory_space<vmem>> -> memref<128x32xf32, #tpu.memory_space<vmem>>
    %dma_wait3A_93 = arith.constant 0 : i32
    %dma_wait3A_94 = tpu.memref_slice %arg9[%dma_wait3A_89, %dma_wait3A_93] : memref<4x128xi32, #tpu.memory_space<vmem>> -> memref<1x128xi32, #tpu.memory_space<vmem>>
    %dma_wait3A_95 = tpu.memref_squeeze %dma_wait3A_94 : memref<1x128xi32, #tpu.memory_space<vmem>> -> memref<128xi32, #tpu.memory_space<vmem>>
    %dma_wait3A_96 = arith.constant 0 : i32
    %dma_wait3A_97 = arith.constant 0 : i32
    %dma_wait3A_98 = tpu.memref_slice %arg5[%dma_wait3A_96, %dma_wait3A_97] : memref<1000000x32xf32, #tpu.memory_space<hbm>> -> memref<1000000x32xf32, #tpu.memory_space<hbm>>
    tpu.wait_indirect_dma semaphore(%arg14 : memref<!tpu.dma_semaphore, #tpu.memory_space<semaphore_mem>>) src(%dma_wait3A_98 : memref<1000000x32xf32, #tpu.memory_space<hbm>>) dst(%dma_wait3A_92 : memref<128x32xf32, #tpu.memory_space<vmem>>)
    %dma_wait3A_99 = arith.constant 1 : i32
    %dma_wait3A_100 = arith.constant 128 : i32
    %dma_wait3A_101 = arith.constant 0 : i32
    %dma_wait3A_102 = tpu.memref_slice %arg10[%dma_wait3A_100, %dma_wait3A_101] : memref<512x32xf32, #tpu.memory_space<vmem>> -> memref<128x32xf32, #tpu.memory_space<vmem>>
    %dma_wait3A_103 = arith.constant 0 : i32
    %dma_wait3A_104 = tpu.memref_slice %arg8[%dma_wait3A_99, %dma_wait3A_103] : memref<4x128xi32, #tpu.memory_space<vmem>> -> memref<1x128xi32, #tpu.memory_space<vmem>>
    %dma_wait3A_105 = tpu.memref_squeeze %dma_wait3A_104 : memref<1x128xi32, #tpu.memory_space<vmem>> -> memref<128xi32, #tpu.memory_space<vmem>>
    %dma_wait3A_106 = arith.constant 0 : i32
    %dma_wait3A_107 = arith.constant 0 : i32
    %dma_wait3A_108 = tpu.memref_slice %arg4[%dma_wait3A_106, %dma_wait3A_107] : memref<1000000x32xf32, #tpu.memory_space<hbm>> -> memref<1000000x32xf32, #tpu.memory_space<hbm>>
    tpu.wait_indirect_dma semaphore(%arg14 : memref<!tpu.dma_semaphore, #tpu.memory_space<semaphore_mem>>) src(%dma_wait3A_108 : memref<1000000x32xf32, #tpu.memory_space<hbm>>) dst(%dma_wait3A_102 : memref<128x32xf32, #tpu.memory_space<vmem>>)
    %dma_wait3A_109 = arith.constant 1 : i32
    %dma_wait3A_110 = arith.constant 128 : i32
    %dma_wait3A_111 = arith.constant 0 : i32
    %dma_wait3A_112 = tpu.memref_slice %arg11[%dma_wait3A_110, %dma_wait3A_111] : memref<512x32xf32, #tpu.memory_space<vmem>> -> memref<128x32xf32, #tpu.memory_space<vmem>>
    %dma_wait3A_113 = arith.constant 0 : i32
    %dma_wait3A_114 = tpu.memref_slice %arg9[%dma_wait3A_109, %dma_wait3A_113] : memref<4x128xi32, #tpu.memory_space<vmem>> -> memref<1x128xi32, #tpu.memory_space<vmem>>
    %dma_wait3A_115 = tpu.memref_squeeze %dma_wait3A_114 : memref<1x128xi32, #tpu.memory_space<vmem>> -> memref<128xi32, #tpu.memory_space<vmem>>
    %dma_wait3A_116 = arith.constant 0 : i32
    %dma_wait3A_117 = arith.constant 0 : i32
    %dma_wait3A_118 = tpu.memref_slice %arg5[%dma_wait3A_116, %dma_wait3A_117] : memref<1000000x32xf32, #tpu.memory_space<hbm>> -> memref<1000000x32xf32, #tpu.memory_space<hbm>>
    tpu.wait_indirect_dma semaphore(%arg14 : memref<!tpu.dma_semaphore, #tpu.memory_space<semaphore_mem>>) src(%dma_wait3A_118 : memref<1000000x32xf32, #tpu.memory_space<hbm>>) dst(%dma_wait3A_112 : memref<128x32xf32, #tpu.memory_space<vmem>>)
    %dma_wait3A_119 = arith.constant 2 : i32
    %dma_wait3A_120 = arith.constant 256 : i32
    %dma_wait3A_121 = arith.constant 0 : i32
    %dma_wait3A_122 = tpu.memref_slice %arg10[%dma_wait3A_120, %dma_wait3A_121] : memref<512x32xf32, #tpu.memory_space<vmem>> -> memref<128x32xf32, #tpu.memory_space<vmem>>
    %dma_wait3A_123 = arith.constant 0 : i32
    %dma_wait3A_124 = tpu.memref_slice %arg8[%dma_wait3A_119, %dma_wait3A_123] : memref<4x128xi32, #tpu.memory_space<vmem>> -> memref<1x128xi32, #tpu.memory_space<vmem>>
    %dma_wait3A_125 = tpu.memref_squeeze %dma_wait3A_124 : memref<1x128xi32, #tpu.memory_space<vmem>> -> memref<128xi32, #tpu.memory_space<vmem>>
    %dma_wait3A_126 = arith.constant 0 : i32
    %dma_wait3A_127 = arith.constant 0 : i32
    %dma_wait3A_128 = tpu.memref_slice %arg4[%dma_wait3A_126, %dma_wait3A_127] : memref<1000000x32xf32, #tpu.memory_space<hbm>> -> memref<1000000x32xf32, #tpu.memory_space<hbm>>
    tpu.wait_indirect_dma semaphore(%arg14 : memref<!tpu.dma_semaphore, #tpu.memory_space<semaphore_mem>>) src(%dma_wait3A_128 : memref<1000000x32xf32, #tpu.memory_space<hbm>>) dst(%dma_wait3A_122 : memref<128x32xf32, #tpu.memory_space<vmem>>)
    %dma_wait3A_129 = arith.constant 2 : i32
    %dma_wait3A_130 = arith.constant 256 : i32
    %dma_wait3A_131 = arith.constant 0 : i32
    %dma_wait3A_132 = tpu.memref_slice %arg11[%dma_wait3A_130, %dma_wait3A_131] : memref<512x32xf32, #tpu.memory_space<vmem>> -> memref<128x32xf32, #tpu.memory_space<vmem>>
    %dma_wait3A_133 = arith.constant 0 : i32
    %dma_wait3A_134 = tpu.memref_slice %arg9[%dma_wait3A_129, %dma_wait3A_133] : memref<4x128xi32, #tpu.memory_space<vmem>> -> memref<1x128xi32, #tpu.memory_space<vmem>>
    %dma_wait3A_135 = tpu.memref_squeeze %dma_wait3A_134 : memref<1x128xi32, #tpu.memory_space<vmem>> -> memref<128xi32, #tpu.memory_space<vmem>>
    %dma_wait3A_136 = arith.constant 0 : i32
    %dma_wait3A_137 = arith.constant 0 : i32
    %dma_wait3A_138 = tpu.memref_slice %arg5[%dma_wait3A_136, %dma_wait3A_137] : memref<1000000x32xf32, #tpu.memory_space<hbm>> -> memref<1000000x32xf32, #tpu.memory_space<hbm>>
    tpu.wait_indirect_dma semaphore(%arg14 : memref<!tpu.dma_semaphore, #tpu.memory_space<semaphore_mem>>) src(%dma_wait3A_138 : memref<1000000x32xf32, #tpu.memory_space<hbm>>) dst(%dma_wait3A_132 : memref<128x32xf32, #tpu.memory_space<vmem>>)
    %dma_wait3A_139 = arith.constant 3 : i32
    %dma_wait3A_140 = arith.constant 384 : i32
    %dma_wait3A_141 = arith.constant 0 : i32
    %dma_wait3A_142 = tpu.memref_slice %arg10[%dma_wait3A_140, %dma_wait3A_141] : memref<512x32xf32, #tpu.memory_space<vmem>> -> memref<128x32xf32, #tpu.memory_space<vmem>>
    %dma_wait3A_143 = arith.constant 0 : i32
    %dma_wait3A_144 = tpu.memref_slice %arg8[%dma_wait3A_139, %dma_wait3A_143] : memref<4x128xi32, #tpu.memory_space<vmem>> -> memref<1x128xi32, #tpu.memory_space<vmem>>
    %dma_wait3A_145 = tpu.memref_squeeze %dma_wait3A_144 : memref<1x128xi32, #tpu.memory_space<vmem>> -> memref<128xi32, #tpu.memory_space<vmem>>
    %dma_wait3A_146 = arith.constant 0 : i32
    %dma_wait3A_147 = arith.constant 0 : i32
    %dma_wait3A_148 = tpu.memref_slice %arg4[%dma_wait3A_146, %dma_wait3A_147] : memref<1000000x32xf32, #tpu.memory_space<hbm>> -> memref<1000000x32xf32, #tpu.memory_space<hbm>>
    tpu.wait_indirect_dma semaphore(%arg14 : memref<!tpu.dma_semaphore, #tpu.memory_space<semaphore_mem>>) src(%dma_wait3A_148 : memref<1000000x32xf32, #tpu.memory_space<hbm>>) dst(%dma_wait3A_142 : memref<128x32xf32, #tpu.memory_space<vmem>>)
    %dma_wait3A_149 = arith.constant 3 : i32
    %dma_wait3A_150 = arith.constant 384 : i32
    %dma_wait3A_151 = arith.constant 0 : i32
    %dma_wait3A_152 = tpu.memref_slice %arg11[%dma_wait3A_150, %dma_wait3A_151] : memref<512x32xf32, #tpu.memory_space<vmem>> -> memref<128x32xf32, #tpu.memory_space<vmem>>
    %dma_wait3A_153 = arith.constant 0 : i32
    %dma_wait3A_154 = tpu.memref_slice %arg9[%dma_wait3A_149, %dma_wait3A_153] : memref<4x128xi32, #tpu.memory_space<vmem>> -> memref<1x128xi32, #tpu.memory_space<vmem>>
    %dma_wait3A_155 = tpu.memref_squeeze %dma_wait3A_154 : memref<1x128xi32, #tpu.memory_space<vmem>> -> memref<128xi32, #tpu.memory_space<vmem>>
    %dma_wait3A_156 = arith.constant 0 : i32
    %dma_wait3A_157 = arith.constant 0 : i32
    %dma_wait3A_158 = tpu.memref_slice %arg5[%dma_wait3A_156, %dma_wait3A_157] : memref<1000000x32xf32, #tpu.memory_space<hbm>> -> memref<1000000x32xf32, #tpu.memory_space<hbm>>
    tpu.wait_indirect_dma semaphore(%arg14 : memref<!tpu.dma_semaphore, #tpu.memory_space<semaphore_mem>>) src(%dma_wait3A_158 : memref<1000000x32xf32, #tpu.memory_space<hbm>>) dst(%dma_wait3A_152 : memref<128x32xf32, #tpu.memory_space<vmem>>)
    %get3A = arith.constant 0 : index
    %get3A_159 = tpu.vector_load %arg12[%get3A] {strides = array<i32>} : memref<48xf32, #tpu.memory_space<vmem>>, vector<16xf32>,
    %get3A_160 = arith.constant 16 : index
    %get3A_161 = tpu.vector_load %arg12[%get3A_160] {strides = array<i32>} : memref<48xf32, #tpu.memory_space<vmem>>, vector<16xf32>,
    %get3A_162 = arith.constant 32 : index
    %get3A_163 = tpu.vector_load %arg12[%get3A_162] {strides = array<i32>} : memref<48xf32, #tpu.memory_space<vmem>>, vector<16xf32>,
    %slice3A = vector.extract_strided_slice %get3A_163 {offsets = [0], sizes = [1], strides = [1]} : vector<16xf32> to vector<1xf32>
    %squeeze3A = vector.extract %slice3A[0] : f32 from vector<1xf32>
    %slice3A_164 = vector.extract_strided_slice %get3A_159 {offsets = [0], sizes = [1], strides = [1]} : vector<16xf32> to vector<1xf32>
    %squeeze3A_165 = vector.extract %slice3A_164[0] : f32 from vector<1xf32>
    %slice3A_166 = vector.extract_strided_slice %get3A_159 {offsets = [1], sizes = [1], strides = [1]} : vector<16xf32> to vector<1xf32>
    %squeeze3A_167 = vector.extract %slice3A_166[0] : f32 from vector<1xf32>
    %slice3A_168 = vector.extract_strided_slice %get3A_159 {offsets = [2], sizes = [1], strides = [1]} : vector<16xf32> to vector<1xf32>
    %squeeze3A_169 = vector.extract %slice3A_168[0] : f32 from vector<1xf32>
    %slice3A_170 = vector.extract_strided_slice %get3A_159 {offsets = [3], sizes = [1], strides = [1]} : vector<16xf32> to vector<1xf32>
    %squeeze3A_171 = vector.extract %slice3A_170[0] : f32 from vector<1xf32>
    %slice3A_172 = vector.extract_strided_slice %get3A_159 {offsets = [4], sizes = [1], strides = [1]} : vector<16xf32> to vector<1xf32>
    %squeeze3A_173 = vector.extract %slice3A_172[0] : f32 from vector<1xf32>
    %slice3A_174 = vector.extract_strided_slice %get3A_159 {offsets = [5], sizes = [1], strides = [1]} : vector<16xf32> to vector<1xf32>
    %squeeze3A_175 = vector.extract %slice3A_174[0] : f32 from vector<1xf32>
    %slice3A_176 = vector.extract_strided_slice %get3A_159 {offsets = [6], sizes = [1], strides = [1]} : vector<16xf32> to vector<1xf32>
    %squeeze3A_177 = vector.extract %slice3A_176[0] : f32 from vector<1xf32>
    %slice3A_178 = vector.extract_strided_slice %get3A_159 {offsets = [7], sizes = [1], strides = [1]} : vector<16xf32> to vector<1xf32>
    %squeeze3A_179 = vector.extract %slice3A_178[0] : f32 from vector<1xf32>
    %slice3A_180 = vector.extract_strided_slice %get3A_159 {offsets = [8], sizes = [1], strides = [1]} : vector<16xf32> to vector<1xf32>
    %squeeze3A_181 = vector.extract %slice3A_180[0] : f32 from vector<1xf32>
    %slice3A_182 = vector.extract_strided_slice %get3A_159 {offsets = [9], sizes = [1], strides = [1]} : vector<16xf32> to vector<1xf32>
    %squeeze3A_183 = vector.extract %slice3A_182[0] : f32 from vector<1xf32>
    %slice3A_184 = vector.extract_strided_slice %get3A_159 {offsets = [10], sizes = [1], strides = [1]} : vector<16xf32> to vector<1xf32>
    %squeeze3A_185 = vector.extract %slice3A_184[0] : f32 from vector<1xf32>
    %slice3A_186 = vector.extract_strided_slice %get3A_159 {offsets = [11], sizes = [1], strides = [1]} : vector<16xf32> to vector<1xf32>
    %squeeze3A_187 = vector.extract %slice3A_186[0] : f32 from vector<1xf32>
    %slice3A_188 = vector.extract_strided_slice %get3A_159 {offsets = [12], sizes = [1], strides = [1]} : vector<16xf32> to vector<1xf32>
    %squeeze3A_189 = vector.extract %slice3A_188[0] : f32 from vector<1xf32>
    %slice3A_190 = vector.extract_strided_slice %get3A_159 {offsets = [13], sizes = [1], strides = [1]} : vector<16xf32> to vector<1xf32>
    %squeeze3A_191 = vector.extract %slice3A_190[0] : f32 from vector<1xf32>
    %slice3A_192 = vector.extract_strided_slice %get3A_159 {offsets = [14], sizes = [1], strides = [1]} : vector<16xf32> to vector<1xf32>
    %squeeze3A_193 = vector.extract %slice3A_192[0] : f32 from vector<1xf32>
    %slice3A_194 = vector.extract_strided_slice %get3A_159 {offsets = [15], sizes = [1], strides = [1]} : vector<16xf32> to vector<1xf32>
    %squeeze3A_195 = vector.extract %slice3A_194[0] : f32 from vector<1xf32>
    %slice3A_196 = vector.extract_strided_slice %get3A_161 {offsets = [0], sizes = [1], strides = [1]} : vector<16xf32> to vector<1xf32>
    %squeeze3A_197 = vector.extract %slice3A_196[0] : f32 from vector<1xf32>
    %slice3A_198 = vector.extract_strided_slice %get3A_161 {offsets = [1], sizes = [1], strides = [1]} : vector<16xf32> to vector<1xf32>
    %squeeze3A_199 = vector.extract %slice3A_198[0] : f32 from vector<1xf32>
    %slice3A_200 = vector.extract_strided_slice %get3A_161 {offsets = [2], sizes = [1], strides = [1]} : vector<16xf32> to vector<1xf32>
    %squeeze3A_201 = vector.extract %slice3A_200[0] : f32 from vector<1xf32>
    %slice3A_202 = vector.extract_strided_slice %get3A_161 {offsets = [3], sizes = [1], strides = [1]} : vector<16xf32> to vector<1xf32>
    %squeeze3A_203 = vector.extract %slice3A_202[0] : f32 from vector<1xf32>
    %slice3A_204 = vector.extract_strided_slice %get3A_161 {offsets = [4], sizes = [1], strides = [1]} : vector<16xf32> to vector<1xf32>
    %squeeze3A_205 = vector.extract %slice3A_204[0] : f32 from vector<1xf32>
    %slice3A_206 = vector.extract_strided_slice %get3A_161 {offsets = [5], sizes = [1], strides = [1]} : vector<16xf32> to vector<1xf32>
    %squeeze3A_207 = vector.extract %slice3A_206[0] : f32 from vector<1xf32>
    %slice3A_208 = vector.extract_strided_slice %get3A_161 {offsets = [6], sizes = [1], strides = [1]} : vector<16xf32> to vector<1xf32>
    %squeeze3A_209 = vector.extract %slice3A_208[0] : f32 from vector<1xf32>
    %slice3A_210 = vector.extract_strided_slice %get3A_161 {offsets = [7], sizes = [1], strides = [1]} : vector<16xf32> to vector<1xf32>
    %squeeze3A_211 = vector.extract %slice3A_210[0] : f32 from vector<1xf32>
    %slice3A_212 = vector.extract_strided_slice %get3A_161 {offsets = [8], sizes = [1], strides = [1]} : vector<16xf32> to vector<1xf32>
    %squeeze3A_213 = vector.extract %slice3A_212[0] : f32 from vector<1xf32>
    %slice3A_214 = vector.extract_strided_slice %get3A_161 {offsets = [9], sizes = [1], strides = [1]} : vector<16xf32> to vector<1xf32>
    %squeeze3A_215 = vector.extract %slice3A_214[0] : f32 from vector<1xf32>
    %slice3A_216 = vector.extract_strided_slice %get3A_161 {offsets = [10], sizes = [1], strides = [1]} : vector<16xf32> to vector<1xf32>
    %squeeze3A_217 = vector.extract %slice3A_216[0] : f32 from vector<1xf32>
    %slice3A_218 = vector.extract_strided_slice %get3A_161 {offsets = [11], sizes = [1], strides = [1]} : vector<16xf32> to vector<1xf32>
    %squeeze3A_219 = vector.extract %slice3A_218[0] : f32 from vector<1xf32>
    %slice3A_220 = vector.extract_strided_slice %get3A_161 {offsets = [12], sizes = [1], strides = [1]} : vector<16xf32> to vector<1xf32>
    %squeeze3A_221 = vector.extract %slice3A_220[0] : f32 from vector<1xf32>
    %slice3A_222 = vector.extract_strided_slice %get3A_161 {offsets = [13], sizes = [1], strides = [1]} : vector<16xf32> to vector<1xf32>
    %squeeze3A_223 = vector.extract %slice3A_222[0] : f32 from vector<1xf32>
    %slice3A_224 = vector.extract_strided_slice %get3A_161 {offsets = [14], sizes = [1], strides = [1]} : vector<16xf32> to vector<1xf32>
    %squeeze3A_225 = vector.extract %slice3A_224[0] : f32 from vector<1xf32>
    %slice3A_226 = vector.extract_strided_slice %get3A_161 {offsets = [15], sizes = [1], strides = [1]} : vector<16xf32> to vector<1xf32>
    %squeeze3A_227 = vector.extract %slice3A_226[0] : f32 from vector<1xf32>
    %iota3A = tpu.iota {dimensions = array<i32: 0>} : vector<16xi32>
    %scan3A = arith.constant 0 : i32
    %scan3A_228 = arith.constant 0 : i32
    %scan3A_229 = arith.constant 32 : i32
    %scan3A_230 = arith.addi %scan3A_228, %scan3A_229 : i32
    %scan3A_231 = arith.constant 1 : i32
    scf.for %scan3A_233 = %scan3A_228 to %scan3A_230 step %scan3A_231  : i32 {
      %mul3A_234 = arith.constant 16 : i32
      %mul3A_235 = arith.muli %scan3A_233, %mul3A_234 : i32
      %add3A_236 = vector.broadcast %mul3A_235 : i32 to vector<16xi32>
      %add3A_237 = arith.addi %add3A_236, %iota3A : vector<16xi32>
      %broadcast_in_dim3A = arith.constant 0.000000e+00 : f32
      %broadcast_in_dim3A_238 = vector.broadcast %broadcast_in_dim3A : f32 to vector<16xf32>
      %broadcast_in_dim3A_239 = arith.constant 0 : i32
      %broadcast_in_dim3A_240 = vector.broadcast %broadcast_in_dim3A_239 : i32 to vector<16xi32>
      %gather3A = tpu.vector_load_idx %arg10[%add3A_237, %broadcast_in_dim3A_240] : memref<512x32xf32, #tpu.memory_space<vmem>>[vector<16xi32>, vector<16xi32>], vector<16xf32>,
      %gather3A_241 = tpu.vector_load_idx %arg11[%add3A_237, %broadcast_in_dim3A_240] : memref<512x32xf32, #tpu.memory_space<vmem>>[vector<16xi32>, vector<16xi32>], vector<16xf32>,
      %mul3A_242 = arith.mulf %gather3A, %gather3A_241 : vector<16xf32>
      %mul3A_243 = vector.broadcast %squeeze3A_165 : f32 to vector<16xf32>
      %mul3A_244 = arith.mulf %mul3A_242, %mul3A_243 : vector<16xf32>
      %add3A_245 = arith.addf %broadcast_in_dim3A_238, %mul3A_244 : vector<16xf32>
      %broadcast_in_dim3A_246 = arith.constant 1 : i32
      %broadcast_in_dim3A_247 = vector.broadcast %broadcast_in_dim3A_246 : i32 to vector<16xi32>
      %gather3A_248 = tpu.vector_load_idx %arg10[%add3A_237, %broadcast_in_dim3A_247] : memref<512x32xf32, #tpu.memory_space<vmem>>[vector<16xi32>, vector<16xi32>], vector<16xf32>,
      %gather3A_249 = tpu.vector_load_idx %arg11[%add3A_237, %broadcast_in_dim3A_247] : memref<512x32xf32, #tpu.memory_space<vmem>>[vector<16xi32>, vector<16xi32>], vector<16xf32>,
      %mul3A_250 = arith.mulf %gather3A_248, %gather3A_249 : vector<16xf32>
      %mul3A_251 = vector.broadcast %squeeze3A_167 : f32 to vector<16xf32>
      %mul3A_252 = arith.mulf %mul3A_250, %mul3A_251 : vector<16xf32>
      %add3A_253 = arith.addf %add3A_245, %mul3A_252 : vector<16xf32>
      %broadcast_in_dim3A_254 = arith.constant 2 : i32
      %broadcast_in_dim3A_255 = vector.broadcast %broadcast_in_dim3A_254 : i32 to vector<16xi32>
      %gather3A_256 = tpu.vector_load_idx %arg10[%add3A_237, %broadcast_in_dim3A_255] : memref<512x32xf32, #tpu.memory_space<vmem>>[vector<16xi32>, vector<16xi32>], vector<16xf32>,
      %gather3A_257 = tpu.vector_load_idx %arg11[%add3A_237, %broadcast_in_dim3A_255] : memref<512x32xf32, #tpu.memory_space<vmem>>[vector<16xi32>, vector<16xi32>], vector<16xf32>,
      %mul3A_258 = arith.mulf %gather3A_256, %gather3A_257 : vector<16xf32>
      %mul3A_259 = vector.broadcast %squeeze3A_169 : f32 to vector<16xf32>
      %mul3A_260 = arith.mulf %mul3A_258, %mul3A_259 : vector<16xf32>
      %add3A_261 = arith.addf %add3A_253, %mul3A_260 : vector<16xf32>
      %broadcast_in_dim3A_262 = arith.constant 3 : i32
      %broadcast_in_dim3A_263 = vector.broadcast %broadcast_in_dim3A_262 : i32 to vector<16xi32>
      %gather3A_264 = tpu.vector_load_idx %arg10[%add3A_237, %broadcast_in_dim3A_263] : memref<512x32xf32, #tpu.memory_space<vmem>>[vector<16xi32>, vector<16xi32>], vector<16xf32>,
      %gather3A_265 = tpu.vector_load_idx %arg11[%add3A_237, %broadcast_in_dim3A_263] : memref<512x32xf32, #tpu.memory_space<vmem>>[vector<16xi32>, vector<16xi32>], vector<16xf32>,
      %mul3A_266 = arith.mulf %gather3A_264, %gather3A_265 : vector<16xf32>
      %mul3A_267 = vector.broadcast %squeeze3A_171 : f32 to vector<16xf32>
      %mul3A_268 = arith.mulf %mul3A_266, %mul3A_267 : vector<16xf32>
      %add3A_269 = arith.addf %add3A_261, %mul3A_268 : vector<16xf32>
      %broadcast_in_dim3A_270 = arith.constant 4 : i32
      %broadcast_in_dim3A_271 = vector.broadcast %broadcast_in_dim3A_270 : i32 to vector<16xi32>
      %gather3A_272 = tpu.vector_load_idx %arg10[%add3A_237, %broadcast_in_dim3A_271] : memref<512x32xf32, #tpu.memory_space<vmem>>[vector<16xi32>, vector<16xi32>], vector<16xf32>,
      %gather3A_273 = tpu.vector_load_idx %arg11[%add3A_237, %broadcast_in_dim3A_271] : memref<512x32xf32, #tpu.memory_space<vmem>>[vector<16xi32>, vector<16xi32>], vector<16xf32>,
      %mul3A_274 = arith.mulf %gather3A_272, %gather3A_273 : vector<16xf32>
      %mul3A_275 = vector.broadcast %squeeze3A_173 : f32 to vector<16xf32>
      %mul3A_276 = arith.mulf %mul3A_274, %mul3A_275 : vector<16xf32>
      %add3A_277 = arith.addf %add3A_269, %mul3A_276 : vector<16xf32>
      %broadcast_in_dim3A_278 = arith.constant 5 : i32
      %broadcast_in_dim3A_279 = vector.broadcast %broadcast_in_dim3A_278 : i32 to vector<16xi32>
      %gather3A_280 = tpu.vector_load_idx %arg10[%add3A_237, %broadcast_in_dim3A_279] : memref<512x32xf32, #tpu.memory_space<vmem>>[vector<16xi32>, vector<16xi32>], vector<16xf32>,
      %gather3A_281 = tpu.vector_load_idx %arg11[%add3A_237, %broadcast_in_dim3A_279] : memref<512x32xf32, #tpu.memory_space<vmem>>[vector<16xi32>, vector<16xi32>], vector<16xf32>,
      %mul3A_282 = arith.mulf %gather3A_280, %gather3A_281 : vector<16xf32>
      %mul3A_283 = vector.broadcast %squeeze3A_175 : f32 to vector<16xf32>
      %mul3A_284 = arith.mulf %mul3A_282, %mul3A_283 : vector<16xf32>
      %add3A_285 = arith.addf %add3A_277, %mul3A_284 : vector<16xf32>
      %broadcast_in_dim3A_286 = arith.constant 6 : i32
      %broadcast_in_dim3A_287 = vector.broadcast %broadcast_in_dim3A_286 : i32 to vector<16xi32>
      %gather3A_288 = tpu.vector_load_idx %arg10[%add3A_237, %broadcast_in_dim3A_287] : memref<512x32xf32, #tpu.memory_space<vmem>>[vector<16xi32>, vector<16xi32>], vector<16xf32>,
      %gather3A_289 = tpu.vector_load_idx %arg11[%add3A_237, %broadcast_in_dim3A_287] : memref<512x32xf32, #tpu.memory_space<vmem>>[vector<16xi32>, vector<16xi32>], vector<16xf32>,
      %mul3A_290 = arith.mulf %gather3A_288, %gather3A_289 : vector<16xf32>
      %mul3A_291 = vector.broadcast %squeeze3A_177 : f32 to vector<16xf32>
      %mul3A_292 = arith.mulf %mul3A_290, %mul3A_291 : vector<16xf32>
      %add3A_293 = arith.addf %add3A_285, %mul3A_292 : vector<16xf32>
      %broadcast_in_dim3A_294 = arith.constant 7 : i32
      %broadcast_in_dim3A_295 = vector.broadcast %broadcast_in_dim3A_294 : i32 to vector<16xi32>
      %gather3A_296 = tpu.vector_load_idx %arg10[%add3A_237, %broadcast_in_dim3A_295] : memref<512x32xf32, #tpu.memory_space<vmem>>[vector<16xi32>, vector<16xi32>], vector<16xf32>,
      %gather3A_297 = tpu.vector_load_idx %arg11[%add3A_237, %broadcast_in_dim3A_295] : memref<512x32xf32, #tpu.memory_space<vmem>>[vector<16xi32>, vector<16xi32>], vector<16xf32>,
      %mul3A_298 = arith.mulf %gather3A_296, %gather3A_297 : vector<16xf32>
      %mul3A_299 = vector.broadcast %squeeze3A_179 : f32 to vector<16xf32>
      %mul3A_300 = arith.mulf %mul3A_298, %mul3A_299 : vector<16xf32>
      %add3A_301 = arith.addf %add3A_293, %mul3A_300 : vector<16xf32>
      %broadcast_in_dim3A_302 = arith.constant 8 : i32
      %broadcast_in_dim3A_303 = vector.broadcast %broadcast_in_dim3A_302 : i32 to vector<16xi32>
      %gather3A_304 = tpu.vector_load_idx %arg10[%add3A_237, %broadcast_in_dim3A_303] : memref<512x32xf32, #tpu.memory_space<vmem>>[vector<16xi32>, vector<16xi32>], vector<16xf32>,
      %gather3A_305 = tpu.vector_load_idx %arg11[%add3A_237, %broadcast_in_dim3A_303] : memref<512x32xf32, #tpu.memory_space<vmem>>[vector<16xi32>, vector<16xi32>], vector<16xf32>,
      %mul3A_306 = arith.mulf %gather3A_304, %gather3A_305 : vector<16xf32>
      %mul3A_307 = vector.broadcast %squeeze3A_181 : f32 to vector<16xf32>
      %mul3A_308 = arith.mulf %mul3A_306, %mul3A_307 : vector<16xf32>
      %add3A_309 = arith.addf %add3A_301, %mul3A_308 : vector<16xf32>
      %broadcast_in_dim3A_310 = arith.constant 9 : i32
      %broadcast_in_dim3A_311 = vector.broadcast %broadcast_in_dim3A_310 : i32 to vector<16xi32>
      %gather3A_312 = tpu.vector_load_idx %arg10[%add3A_237, %broadcast_in_dim3A_311] : memref<512x32xf32, #tpu.memory_space<vmem>>[vector<16xi32>, vector<16xi32>], vector<16xf32>,
      %gather3A_313 = tpu.vector_load_idx %arg11[%add3A_237, %broadcast_in_dim3A_311] : memref<512x32xf32, #tpu.memory_space<vmem>>[vector<16xi32>, vector<16xi32>], vector<16xf32>,
      %mul3A_314 = arith.mulf %gather3A_312, %gather3A_313 : vector<16xf32>
      %mul3A_315 = vector.broadcast %squeeze3A_183 : f32 to vector<16xf32>
      %mul3A_316 = arith.mulf %mul3A_314, %mul3A_315 : vector<16xf32>
      %add3A_317 = arith.addf %add3A_309, %mul3A_316 : vector<16xf32>
      %broadcast_in_dim3A_318 = arith.constant 10 : i32
      %broadcast_in_dim3A_319 = vector.broadcast %broadcast_in_dim3A_318 : i32 to vector<16xi32>
      %gather3A_320 = tpu.vector_load_idx %arg10[%add3A_237, %broadcast_in_dim3A_319] : memref<512x32xf32, #tpu.memory_space<vmem>>[vector<16xi32>, vector<16xi32>], vector<16xf32>,
      %gather3A_321 = tpu.vector_load_idx %arg11[%add3A_237, %broadcast_in_dim3A_319] : memref<512x32xf32, #tpu.memory_space<vmem>>[vector<16xi32>, vector<16xi32>], vector<16xf32>,
      %mul3A_322 = arith.mulf %gather3A_320, %gather3A_321 : vector<16xf32>
      %mul3A_323 = vector.broadcast %squeeze3A_185 : f32 to vector<16xf32>
      %mul3A_324 = arith.mulf %mul3A_322, %mul3A_323 : vector<16xf32>
      %add3A_325 = arith.addf %add3A_317, %mul3A_324 : vector<16xf32>
      %broadcast_in_dim3A_326 = arith.constant 11 : i32
      %broadcast_in_dim3A_327 = vector.broadcast %broadcast_in_dim3A_326 : i32 to vector<16xi32>
      %gather3A_328 = tpu.vector_load_idx %arg10[%add3A_237, %broadcast_in_dim3A_327] : memref<512x32xf32, #tpu.memory_space<vmem>>[vector<16xi32>, vector<16xi32>], vector<16xf32>,
      %gather3A_329 = tpu.vector_load_idx %arg11[%add3A_237, %broadcast_in_dim3A_327] : memref<512x32xf32, #tpu.memory_space<vmem>>[vector<16xi32>, vector<16xi32>], vector<16xf32>,
      %mul3A_330 = arith.mulf %gather3A_328, %gather3A_329 : vector<16xf32>
      %mul3A_331 = vector.broadcast %squeeze3A_187 : f32 to vector<16xf32>
      %mul3A_332 = arith.mulf %mul3A_330, %mul3A_331 : vector<16xf32>
      %add3A_333 = arith.addf %add3A_325, %mul3A_332 : vector<16xf32>
      %broadcast_in_dim3A_334 = arith.constant 12 : i32
      %broadcast_in_dim3A_335 = vector.broadcast %broadcast_in_dim3A_334 : i32 to vector<16xi32>
      %gather3A_336 = tpu.vector_load_idx %arg10[%add3A_237, %broadcast_in_dim3A_335] : memref<512x32xf32, #tpu.memory_space<vmem>>[vector<16xi32>, vector<16xi32>], vector<16xf32>,
      %gather3A_337 = tpu.vector_load_idx %arg11[%add3A_237, %broadcast_in_dim3A_335] : memref<512x32xf32, #tpu.memory_space<vmem>>[vector<16xi32>, vector<16xi32>], vector<16xf32>,
      %mul3A_338 = arith.mulf %gather3A_336, %gather3A_337 : vector<16xf32>
      %mul3A_339 = vector.broadcast %squeeze3A_189 : f32 to vector<16xf32>
      %mul3A_340 = arith.mulf %mul3A_338, %mul3A_339 : vector<16xf32>
      %add3A_341 = arith.addf %add3A_333, %mul3A_340 : vector<16xf32>
      %broadcast_in_dim3A_342 = arith.constant 13 : i32
      %broadcast_in_dim3A_343 = vector.broadcast %broadcast_in_dim3A_342 : i32 to vector<16xi32>
      %gather3A_344 = tpu.vector_load_idx %arg10[%add3A_237, %broadcast_in_dim3A_343] : memref<512x32xf32, #tpu.memory_space<vmem>>[vector<16xi32>, vector<16xi32>], vector<16xf32>,
      %gather3A_345 = tpu.vector_load_idx %arg11[%add3A_237, %broadcast_in_dim3A_343] : memref<512x32xf32, #tpu.memory_space<vmem>>[vector<16xi32>, vector<16xi32>], vector<16xf32>,
      %mul3A_346 = arith.mulf %gather3A_344, %gather3A_345 : vector<16xf32>
      %mul3A_347 = vector.broadcast %squeeze3A_191 : f32 to vector<16xf32>
      %mul3A_348 = arith.mulf %mul3A_346, %mul3A_347 : vector<16xf32>
      %add3A_349 = arith.addf %add3A_341, %mul3A_348 : vector<16xf32>
      %broadcast_in_dim3A_350 = arith.constant 14 : i32
      %broadcast_in_dim3A_351 = vector.broadcast %broadcast_in_dim3A_350 : i32 to vector<16xi32>
      %gather3A_352 = tpu.vector_load_idx %arg10[%add3A_237, %broadcast_in_dim3A_351] : memref<512x32xf32, #tpu.memory_space<vmem>>[vector<16xi32>, vector<16xi32>], vector<16xf32>,
      %gather3A_353 = tpu.vector_load_idx %arg11[%add3A_237, %broadcast_in_dim3A_351] : memref<512x32xf32, #tpu.memory_space<vmem>>[vector<16xi32>, vector<16xi32>], vector<16xf32>,
      %mul3A_354 = arith.mulf %gather3A_352, %gather3A_353 : vector<16xf32>
      %mul3A_355 = vector.broadcast %squeeze3A_193 : f32 to vector<16xf32>
      %mul3A_356 = arith.mulf %mul3A_354, %mul3A_355 : vector<16xf32>
      %add3A_357 = arith.addf %add3A_349, %mul3A_356 : vector<16xf32>
      %broadcast_in_dim3A_358 = arith.constant 15 : i32
      %broadcast_in_dim3A_359 = vector.broadcast %broadcast_in_dim3A_358 : i32 to vector<16xi32>
      %gather3A_360 = tpu.vector_load_idx %arg10[%add3A_237, %broadcast_in_dim3A_359] : memref<512x32xf32, #tpu.memory_space<vmem>>[vector<16xi32>, vector<16xi32>], vector<16xf32>,
      %gather3A_361 = tpu.vector_load_idx %arg11[%add3A_237, %broadcast_in_dim3A_359] : memref<512x32xf32, #tpu.memory_space<vmem>>[vector<16xi32>, vector<16xi32>], vector<16xf32>,
      %mul3A_362 = arith.mulf %gather3A_360, %gather3A_361 : vector<16xf32>
      %mul3A_363 = vector.broadcast %squeeze3A_195 : f32 to vector<16xf32>
      %mul3A_364 = arith.mulf %mul3A_362, %mul3A_363 : vector<16xf32>
      %add3A_365 = arith.addf %add3A_357, %mul3A_364 : vector<16xf32>
      %broadcast_in_dim3A_366 = arith.constant 16 : i32
      %broadcast_in_dim3A_367 = vector.broadcast %broadcast_in_dim3A_366 : i32 to vector<16xi32>
      %gather3A_368 = tpu.vector_load_idx %arg10[%add3A_237, %broadcast_in_dim3A_367] : memref<512x32xf32, #tpu.memory_space<vmem>>[vector<16xi32>, vector<16xi32>], vector<16xf32>,
      %gather3A_369 = tpu.vector_load_idx %arg11[%add3A_237, %broadcast_in_dim3A_367] : memref<512x32xf32, #tpu.memory_space<vmem>>[vector<16xi32>, vector<16xi32>], vector<16xf32>,
      %mul3A_370 = arith.mulf %gather3A_368, %gather3A_369 : vector<16xf32>
      %mul3A_371 = vector.broadcast %squeeze3A_197 : f32 to vector<16xf32>
      %mul3A_372 = arith.mulf %mul3A_370, %mul3A_371 : vector<16xf32>
      %add3A_373 = arith.addf %add3A_365, %mul3A_372 : vector<16xf32>
      %broadcast_in_dim3A_374 = arith.constant 17 : i32
      %broadcast_in_dim3A_375 = vector.broadcast %broadcast_in_dim3A_374 : i32 to vector<16xi32>
      %gather3A_376 = tpu.vector_load_idx %arg10[%add3A_237, %broadcast_in_dim3A_375] : memref<512x32xf32, #tpu.memory_space<vmem>>[vector<16xi32>, vector<16xi32>], vector<16xf32>,
      %gather3A_377 = tpu.vector_load_idx %arg11[%add3A_237, %broadcast_in_dim3A_375] : memref<512x32xf32, #tpu.memory_space<vmem>>[vector<16xi32>, vector<16xi32>], vector<16xf32>,
      %mul3A_378 = arith.mulf %gather3A_376, %gather3A_377 : vector<16xf32>
      %mul3A_379 = vector.broadcast %squeeze3A_199 : f32 to vector<16xf32>
      %mul3A_380 = arith.mulf %mul3A_378, %mul3A_379 : vector<16xf32>
      %add3A_381 = arith.addf %add3A_373, %mul3A_380 : vector<16xf32>
      %broadcast_in_dim3A_382 = arith.constant 18 : i32
      %broadcast_in_dim3A_383 = vector.broadcast %broadcast_in_dim3A_382 : i32 to vector<16xi32>
      %gather3A_384 = tpu.vector_load_idx %arg10[%add3A_237, %broadcast_in_dim3A_383] : memref<512x32xf32, #tpu.memory_space<vmem>>[vector<16xi32>, vector<16xi32>], vector<16xf32>,
      %gather3A_385 = tpu.vector_load_idx %arg11[%add3A_237, %broadcast_in_dim3A_383] : memref<512x32xf32, #tpu.memory_space<vmem>>[vector<16xi32>, vector<16xi32>], vector<16xf32>,
      %mul3A_386 = arith.mulf %gather3A_384, %gather3A_385 : vector<16xf32>
      %mul3A_387 = vector.broadcast %squeeze3A_201 : f32 to vector<16xf32>
      %mul3A_388 = arith.mulf %mul3A_386, %mul3A_387 : vector<16xf32>
      %add3A_389 = arith.addf %add3A_381, %mul3A_388 : vector<16xf32>
      %broadcast_in_dim3A_390 = arith.constant 19 : i32
      %broadcast_in_dim3A_391 = vector.broadcast %broadcast_in_dim3A_390 : i32 to vector<16xi32>
      %gather3A_392 = tpu.vector_load_idx %arg10[%add3A_237, %broadcast_in_dim3A_391] : memref<512x32xf32, #tpu.memory_space<vmem>>[vector<16xi32>, vector<16xi32>], vector<16xf32>,
      %gather3A_393 = tpu.vector_load_idx %arg11[%add3A_237, %broadcast_in_dim3A_391] : memref<512x32xf32, #tpu.memory_space<vmem>>[vector<16xi32>, vector<16xi32>], vector<16xf32>,
      %mul3A_394 = arith.mulf %gather3A_392, %gather3A_393 : vector<16xf32>
      %mul3A_395 = vector.broadcast %squeeze3A_203 : f32 to vector<16xf32>
      %mul3A_396 = arith.mulf %mul3A_394, %mul3A_395 : vector<16xf32>
      %add3A_397 = arith.addf %add3A_389, %mul3A_396 : vector<16xf32>
      %broadcast_in_dim3A_398 = arith.constant 20 : i32
      %broadcast_in_dim3A_399 = vector.broadcast %broadcast_in_dim3A_398 : i32 to vector<16xi32>
      %gather3A_400 = tpu.vector_load_idx %arg10[%add3A_237, %broadcast_in_dim3A_399] : memref<512x32xf32, #tpu.memory_space<vmem>>[vector<16xi32>, vector<16xi32>], vector<16xf32>,
      %gather3A_401 = tpu.vector_load_idx %arg11[%add3A_237, %broadcast_in_dim3A_399] : memref<512x32xf32, #tpu.memory_space<vmem>>[vector<16xi32>, vector<16xi32>], vector<16xf32>,
      %mul3A_402 = arith.mulf %gather3A_400, %gather3A_401 : vector<16xf32>
      %mul3A_403 = vector.broadcast %squeeze3A_205 : f32 to vector<16xf32>
      %mul3A_404 = arith.mulf %mul3A_402, %mul3A_403 : vector<16xf32>
      %add3A_405 = arith.addf %add3A_397, %mul3A_404 : vector<16xf32>
      %broadcast_in_dim3A_406 = arith.constant 21 : i32
      %broadcast_in_dim3A_407 = vector.broadcast %broadcast_in_dim3A_406 : i32 to vector<16xi32>
      %gather3A_408 = tpu.vector_load_idx %arg10[%add3A_237, %broadcast_in_dim3A_407] : memref<512x32xf32, #tpu.memory_space<vmem>>[vector<16xi32>, vector<16xi32>], vector<16xf32>,
      %gather3A_409 = tpu.vector_load_idx %arg11[%add3A_237, %broadcast_in_dim3A_407] : memref<512x32xf32, #tpu.memory_space<vmem>>[vector<16xi32>, vector<16xi32>], vector<16xf32>,
      %mul3A_410 = arith.mulf %gather3A_408, %gather3A_409 : vector<16xf32>
      %mul3A_411 = vector.broadcast %squeeze3A_207 : f32 to vector<16xf32>
      %mul3A_412 = arith.mulf %mul3A_410, %mul3A_411 : vector<16xf32>
      %add3A_413 = arith.addf %add3A_405, %mul3A_412 : vector<16xf32>
      %broadcast_in_dim3A_414 = arith.constant 22 : i32
      %broadcast_in_dim3A_415 = vector.broadcast %broadcast_in_dim3A_414 : i32 to vector<16xi32>
      %gather3A_416 = tpu.vector_load_idx %arg10[%add3A_237, %broadcast_in_dim3A_415] : memref<512x32xf32, #tpu.memory_space<vmem>>[vector<16xi32>, vector<16xi32>], vector<16xf32>,
      %gather3A_417 = tpu.vector_load_idx %arg11[%add3A_237, %broadcast_in_dim3A_415] : memref<512x32xf32, #tpu.memory_space<vmem>>[vector<16xi32>, vector<16xi32>], vector<16xf32>,
      %mul3A_418 = arith.mulf %gather3A_416, %gather3A_417 : vector<16xf32>
      %mul3A_419 = vector.broadcast %squeeze3A_209 : f32 to vector<16xf32>
      %mul3A_420 = arith.mulf %mul3A_418, %mul3A_419 : vector<16xf32>
      %add3A_421 = arith.addf %add3A_413, %mul3A_420 : vector<16xf32>
      %broadcast_in_dim3A_422 = arith.constant 23 : i32
      %broadcast_in_dim3A_423 = vector.broadcast %broadcast_in_dim3A_422 : i32 to vector<16xi32>
      %gather3A_424 = tpu.vector_load_idx %arg10[%add3A_237, %broadcast_in_dim3A_423] : memref<512x32xf32, #tpu.memory_space<vmem>>[vector<16xi32>, vector<16xi32>], vector<16xf32>,
      %gather3A_425 = tpu.vector_load_idx %arg11[%add3A_237, %broadcast_in_dim3A_423] : memref<512x32xf32, #tpu.memory_space<vmem>>[vector<16xi32>, vector<16xi32>], vector<16xf32>,
      %mul3A_426 = arith.mulf %gather3A_424, %gather3A_425 : vector<16xf32>
      %mul3A_427 = vector.broadcast %squeeze3A_211 : f32 to vector<16xf32>
      %mul3A_428 = arith.mulf %mul3A_426, %mul3A_427 : vector<16xf32>
      %add3A_429 = arith.addf %add3A_421, %mul3A_428 : vector<16xf32>
      %broadcast_in_dim3A_430 = arith.constant 24 : i32
      %broadcast_in_dim3A_431 = vector.broadcast %broadcast_in_dim3A_430 : i32 to vector<16xi32>
      %gather3A_432 = tpu.vector_load_idx %arg10[%add3A_237, %broadcast_in_dim3A_431] : memref<512x32xf32, #tpu.memory_space<vmem>>[vector<16xi32>, vector<16xi32>], vector<16xf32>,
      %gather3A_433 = tpu.vector_load_idx %arg11[%add3A_237, %broadcast_in_dim3A_431] : memref<512x32xf32, #tpu.memory_space<vmem>>[vector<16xi32>, vector<16xi32>], vector<16xf32>,
      %mul3A_434 = arith.mulf %gather3A_432, %gather3A_433 : vector<16xf32>
      %mul3A_435 = vector.broadcast %squeeze3A_213 : f32 to vector<16xf32>
      %mul3A_436 = arith.mulf %mul3A_434, %mul3A_435 : vector<16xf32>
      %add3A_437 = arith.addf %add3A_429, %mul3A_436 : vector<16xf32>
      %broadcast_in_dim3A_438 = arith.constant 25 : i32
      %broadcast_in_dim3A_439 = vector.broadcast %broadcast_in_dim3A_438 : i32 to vector<16xi32>
      %gather3A_440 = tpu.vector_load_idx %arg10[%add3A_237, %broadcast_in_dim3A_439] : memref<512x32xf32, #tpu.memory_space<vmem>>[vector<16xi32>, vector<16xi32>], vector<16xf32>,
      %gather3A_441 = tpu.vector_load_idx %arg11[%add3A_237, %broadcast_in_dim3A_439] : memref<512x32xf32, #tpu.memory_space<vmem>>[vector<16xi32>, vector<16xi32>], vector<16xf32>,
      %mul3A_442 = arith.mulf %gather3A_440, %gather3A_441 : vector<16xf32>
      %mul3A_443 = vector.broadcast %squeeze3A_215 : f32 to vector<16xf32>
      %mul3A_444 = arith.mulf %mul3A_442, %mul3A_443 : vector<16xf32>
      %add3A_445 = arith.addf %add3A_437, %mul3A_444 : vector<16xf32>
      %broadcast_in_dim3A_446 = arith.constant 26 : i32
      %broadcast_in_dim3A_447 = vector.broadcast %broadcast_in_dim3A_446 : i32 to vector<16xi32>
      %gather3A_448 = tpu.vector_load_idx %arg10[%add3A_237, %broadcast_in_dim3A_447] : memref<512x32xf32, #tpu.memory_space<vmem>>[vector<16xi32>, vector<16xi32>], vector<16xf32>,
      %gather3A_449 = tpu.vector_load_idx %arg11[%add3A_237, %broadcast_in_dim3A_447] : memref<512x32xf32, #tpu.memory_space<vmem>>[vector<16xi32>, vector<16xi32>], vector<16xf32>,
      %mul3A_450 = arith.mulf %gather3A_448, %gather3A_449 : vector<16xf32>
      %mul3A_451 = vector.broadcast %squeeze3A_217 : f32 to vector<16xf32>
      %mul3A_452 = arith.mulf %mul3A_450, %mul3A_451 : vector<16xf32>
      %add3A_453 = arith.addf %add3A_445, %mul3A_452 : vector<16xf32>
      %broadcast_in_dim3A_454 = arith.constant 27 : i32
      %broadcast_in_dim3A_455 = vector.broadcast %broadcast_in_dim3A_454 : i32 to vector<16xi32>
      %gather3A_456 = tpu.vector_load_idx %arg10[%add3A_237, %broadcast_in_dim3A_455] : memref<512x32xf32, #tpu.memory_space<vmem>>[vector<16xi32>, vector<16xi32>], vector<16xf32>,
      %gather3A_457 = tpu.vector_load_idx %arg11[%add3A_237, %broadcast_in_dim3A_455] : memref<512x32xf32, #tpu.memory_space<vmem>>[vector<16xi32>, vector<16xi32>], vector<16xf32>,
      %mul3A_458 = arith.mulf %gather3A_456, %gather3A_457 : vector<16xf32>
      %mul3A_459 = vector.broadcast %squeeze3A_219 : f32 to vector<16xf32>
      %mul3A_460 = arith.mulf %mul3A_458, %mul3A_459 : vector<16xf32>
      %add3A_461 = arith.addf %add3A_453, %mul3A_460 : vector<16xf32>
      %broadcast_in_dim3A_462 = arith.constant 28 : i32
      %broadcast_in_dim3A_463 = vector.broadcast %broadcast_in_dim3A_462 : i32 to vector<16xi32>
      %gather3A_464 = tpu.vector_load_idx %arg10[%add3A_237, %broadcast_in_dim3A_463] : memref<512x32xf32, #tpu.memory_space<vmem>>[vector<16xi32>, vector<16xi32>], vector<16xf32>,
      %gather3A_465 = tpu.vector_load_idx %arg11[%add3A_237, %broadcast_in_dim3A_463] : memref<512x32xf32, #tpu.memory_space<vmem>>[vector<16xi32>, vector<16xi32>], vector<16xf32>,
      %mul3A_466 = arith.mulf %gather3A_464, %gather3A_465 : vector<16xf32>
      %mul3A_467 = vector.broadcast %squeeze3A_221 : f32 to vector<16xf32>
      %mul3A_468 = arith.mulf %mul3A_466, %mul3A_467 : vector<16xf32>
      %add3A_469 = arith.addf %add3A_461, %mul3A_468 : vector<16xf32>
      %broadcast_in_dim3A_470 = arith.constant 29 : i32
      %broadcast_in_dim3A_471 = vector.broadcast %broadcast_in_dim3A_470 : i32 to vector<16xi32>
      %gather3A_472 = tpu.vector_load_idx %arg10[%add3A_237, %broadcast_in_dim3A_471] : memref<512x32xf32, #tpu.memory_space<vmem>>[vector<16xi32>, vector<16xi32>], vector<16xf32>,
      %gather3A_473 = tpu.vector_load_idx %arg11[%add3A_237, %broadcast_in_dim3A_471] : memref<512x32xf32, #tpu.memory_space<vmem>>[vector<16xi32>, vector<16xi32>], vector<16xf32>,
      %mul3A_474 = arith.mulf %gather3A_472, %gather3A_473 : vector<16xf32>
      %mul3A_475 = vector.broadcast %squeeze3A_223 : f32 to vector<16xf32>
      %mul3A_476 = arith.mulf %mul3A_474, %mul3A_475 : vector<16xf32>
      %add3A_477 = arith.addf %add3A_469, %mul3A_476 : vector<16xf32>
      %broadcast_in_dim3A_478 = arith.constant 30 : i32
      %broadcast_in_dim3A_479 = vector.broadcast %broadcast_in_dim3A_478 : i32 to vector<16xi32>
      %gather3A_480 = tpu.vector_load_idx %arg10[%add3A_237, %broadcast_in_dim3A_479] : memref<512x32xf32, #tpu.memory_space<vmem>>[vector<16xi32>, vector<16xi32>], vector<16xf32>,
      %gather3A_481 = tpu.vector_load_idx %arg11[%add3A_237, %broadcast_in_dim3A_479] : memref<512x32xf32, #tpu.memory_space<vmem>>[vector<16xi32>, vector<16xi32>], vector<16xf32>,
      %mul3A_482 = arith.mulf %gather3A_480, %gather3A_481 : vector<16xf32>
      %mul3A_483 = vector.broadcast %squeeze3A_225 : f32 to vector<16xf32>
      %mul3A_484 = arith.mulf %mul3A_482, %mul3A_483 : vector<16xf32>
      %add3A_485 = arith.addf %add3A_477, %mul3A_484 : vector<16xf32>
      %broadcast_in_dim3A_486 = arith.constant 31 : i32
      %broadcast_in_dim3A_487 = vector.broadcast %broadcast_in_dim3A_486 : i32 to vector<16xi32>
      %gather3A_488 = tpu.vector_load_idx %arg10[%add3A_237, %broadcast_in_dim3A_487] : memref<512x32xf32, #tpu.memory_space<vmem>>[vector<16xi32>, vector<16xi32>], vector<16xf32>,
      %gather3A_489 = tpu.vector_load_idx %arg11[%add3A_237, %broadcast_in_dim3A_487] : memref<512x32xf32, #tpu.memory_space<vmem>>[vector<16xi32>, vector<16xi32>], vector<16xf32>,
      %mul3A_490 = arith.mulf %gather3A_488, %gather3A_489 : vector<16xf32>
      %mul3A_491 = vector.broadcast %squeeze3A_227 : f32 to vector<16xf32>
      %mul3A_492 = arith.mulf %mul3A_490, %mul3A_491 : vector<16xf32>
      %add3A_493 = arith.addf %add3A_485, %mul3A_492 : vector<16xf32>
      %add3A_494 = vector.broadcast %squeeze3A : f32 to vector<16xf32>
      %add3A_495 = arith.addf %add3A_493, %add3A_494 : vector<16xf32>
      %mul3A_496 = arith.constant 16 : i32
      %mul3A_497 = arith.muli %scan3A_233, %mul3A_496 : i32
      %swap3A = arith.index_cast %mul3A_497 : i32 to index
      %swap3A_498 = tpu.vector_load %arg13[%swap3A] {strides = array<i32>} : memref<512xf32, #tpu.memory_space<vmem>>, vector<16xf32>,
      tpu.vector_store %arg13[%swap3A], %add3A_495 {strides = array<i32>} : memref<512xf32, #tpu.memory_space<vmem>>, vector<16xf32>,
    }
    %scan3A_232 = arith.constant 32 : i32
    "tpu.region"() ({
      %run_scoped3A = tpu.sem_alloc : memref<!tpu.dma_semaphore, #tpu.memory_space<semaphore_mem>>
      %dma_start3A_233 = arith.constant 0 : i32
      %dma_start3A_234 = tpu.memref_slice %arg7[%add3A, %dma_start3A_233] : memref<32x512xf32, #tpu.memory_space<hbm>> -> memref<1x512xf32, #tpu.memory_space<hbm>>
      %dma_start3A_235 = tpu.memref_squeeze %dma_start3A_234 : memref<1x512xf32, #tpu.memory_space<hbm>> -> memref<512xf32, #tpu.memory_space<hbm>>
      %dma_start3A_236 = arith.constant 0 : i32
      %dma_start3A_237 = tpu.memref_slice %arg7[%add3A, %dma_start3A_236] : memref<32x512xf32, #tpu.memory_space<hbm>> -> memref<1x512xf32, #tpu.memory_space<hbm>>
      %dma_start3A_238 = tpu.memref_squeeze %dma_start3A_237 : memref<1x512xf32, #tpu.memory_space<hbm>> -> memref<512xf32, #tpu.memory_space<hbm>>
      tpu.enqueue_dma source(%arg13 : memref<512xf32, #tpu.memory_space<vmem>>) target(%dma_start3A_238 : memref<512xf32, #tpu.memory_space<hbm>>) target_semaphore(%run_scoped3A : memref<!tpu.dma_semaphore, #tpu.memory_space<semaphore_mem>>)
      %dma_wait3A_239 = arith.constant 0 : i32
      %dma_wait3A_240 = tpu.memref_slice %arg7[%add3A, %dma_wait3A_239] : memref<32x512xf32, #tpu.memory_space<hbm>> -> memref<1x512xf32, #tpu.memory_space<hbm>>
      %dma_wait3A_241 = tpu.memref_squeeze %dma_wait3A_240 : memref<1x512xf32, #tpu.memory_space<hbm>> -> memref<512xf32, #tpu.memory_space<hbm>>
      %dma_wait3A_242 = arith.constant 0 : i32
      %dma_wait3A_243 = tpu.memref_slice %arg7[%add3A, %dma_wait3A_242] : memref<32x512xf32, #tpu.memory_space<hbm>> -> memref<1x512xf32, #tpu.memory_space<hbm>>
      %dma_wait3A_244 = tpu.memref_squeeze %dma_wait3A_243 : memref<1x512xf32, #tpu.memory_space<hbm>> -> memref<512xf32, #tpu.memory_space<hbm>>
      tpu.wait_dma2 semaphore(%run_scoped3A : memref<!tpu.dma_semaphore, #tpu.memory_space<semaphore_mem>>) src(%arg13 : memref<512xf32, #tpu.memory_space<vmem>>) dst(%dma_wait3A_244 : memref<512xf32, #tpu.memory_space<hbm>>)
      tpu.yield
    }) : () -> ()
    return
  }
}

</mosaic_0001>

<sc_bundles>
// kernel: kernel.3.cloned.1.call-start
scs
__scs_entry_jumppad:
0x0: {  	(pc) =	sbr.rel $0x88, $3  }
0x1: {  	(tag) =	ssettag $0x0;
	lr =	simm.s32 $0x1  }
0x2: {  	[smem:$0x3F9B] =	sst lr;
	_ =	strace $0xD0000000  }
0x3: {  	_ = 	snop  }
0x4: {  	_ = 	snop  }
0x5: {  	_ = 	snop  }
0x6: {  	_ = 	snop  }
0x7: {  	_ = 	snop  }
__scs_overlays_trampoline_lowered:
0x8: {  	[smem:$0x3FAA] =	sst s0  }
0x9: {  	[smem:$0x3FAB] =	sst s1  }
0xa: {  	[smem:$0x3FAC] =	sst s2  }
0xb: {  	[smem:$0x3FAD] =	sst s3  }
0xc: {  	[smem:$0x3FAE] =	sst s4  }
0xd: {  	[smem:$0x3FAF] =	sst s5  }
0xe: {  	[smem:$0x3FB0] =	sst s6  }
0xf: {  	[smem:$0x3FB1] =	sst s7  }
0x10: {  	[smem:$0x3FB2] =	sst s8  }
0x11: {  	[smem:$0x3FB3] =	sst s9;
	s0 =	simm.s32 @!p0 $0x0  }
0x12: {  	s1 =	sld [smem:$0x3F99];
	s0 =	simm.s32 @p0 $0x1  }
0x13: {  	[smem:$0x3FB4] =	sst s0;
	s0 =	simm.s32 @!p1 $0x0  }
0x14: {  	s2 =	sld [smem:$0x3F98];
	s0 =	simm.s32 @p1 $0x1  }
0x15: {  	[smem:$0x3FB5] =	sst s0;
	s0 =	simm.s32 @!p2 $0x0  }
0x16: {  	s3 =	sld [smem:$0x3FDB];
	s0 =	simm.s32 @p2 $0x1  }
0x17: {  	s4 =	simm.s32 $0x1BF5;
	[smem:$0x3FB7] =	sst s0  }
0x18: {  	s0 =	sld [smem:$0x3F9A];
	_ =	swait.ge [sflag:s4], $0x0  }
0x19: {  	s7 =	sld [smem:$0x3F9B]  }
0x1a: {  	s8 =	sadd.s32 $0xFFFFE003, lr  }
0x1b: {  	s9 =	sadd.s32 $0xFFFFFEF7, lr;
	s5 =	simm.s32 $0xFFFFFFFF;
	p2 =	slt.u32 s8, $0xFFFFF086  }
0x1c: {  	p1 =	slt.u32 s9, $0xF7A;
	s5 =	simm.s32 @!p2 $0x0  }
0x1d: {  	s5 =	simm.s32 @p1 $0x1;
	p0 =	seq.s32 s7, s2  }
0x1e: {  	s7 =	smul.u32 @!p0 $0xF7A, s2;
	p2 =	seq.s32 @!p0 s5, $0x0  }
0x1f: {  	s9 =	smul.u32 $0xF7A, s1;
	s8 =	simm.s32 @!p0 $0x1BF5;
	p2 =	por !p2, p0  }
0x20: {  	[sflag:s8] =	ssyncset.s32 @!p0 $0xFFFFF086;
	s6 =	sadd.s32 @!p0 s3, s7;
	s7 =	simm.s32 @!p0 $0x108  }
0x21: {  	s3 =	sadd.s32 s3, s9;
	s6 =	sadd.s32 @!p0 $0x88, s6;
	s7 =	simm.s32 @p2 $0x1082  }
0x22: {  	[simem:s7], [sflag:s8] =	dma.local @!p0 [hbm:s6], $0xF7A  }
0x23: {  	s9 =	sor.u32 $0xD0000000, s2;
	s6 =	simm.s32 $0x108;
	_ =	swait.ge @!p0 [sflag:s8], $0x0  }
0x24: {  	s3 =	sadd.s32 $0x88, s3;
	s6 =	simm.s32 @!p1 $0x1082;
	[sflag:s4] =	ssyncset.s32 $0xFFFFF086  }
0x25: {  	[simem:s6], [sflag:s4] =	dma.local [hbm:s3], $0xF7A  }
0x26: {  	[smem:$0x3F9B] =	sst s1;
	(tag) =	ssettag s2;
	_ =	strace s9  }
0x27: {  	s1 =	sld [smem:$0x3FAB]  }
0x28: {  	s2 =	sld [smem:$0x3FAC]  }
0x29: {  	s4 =	sld [smem:$0x3FAE]  }
0x2a: {  	p0 =	seq.s32 s5, $0x0;
	s5 =	sld [smem:$0x3FAF]  }
0x2b: {  	s6 =	sld [smem:$0x3FB0]  }
0x2c: {  	s7 =	sld [smem:$0x3FB1]  }
0x2d: {  	s3 =	simm.s32 $0x108;
	s8 =	sld [smem:$0x3FB2]  }
0x2e: {  	s3 =	simm.s32 @!p0 $0x1082;
	s9 =	sld [smem:$0x3FB3]  }
0x2f: {  	lr =	sadd.s32 s0, s3;
	s0 =	sld [smem:$0x3FAA]  }
0x30: {  	s3 =	sld [smem:$0x3FAD]  }
0x31: {  	[smem:$0x3FB6] =	sst s10  }
0x32: {  	s10 =	sld [smem:$0x3FB4];
	_ =	sdelay $0x3  }
0x33: {  	p0 =	seq.s32 s10, $0x1;
	s10 =	sld [smem:$0x3FB6];
	_ =	sdelay $0x3  }
0x34: {  	[smem:$0x3FB6] =	sst s10  }
0x35: {  	s10 =	sld [smem:$0x3FB5];
	_ =	sdelay $0x3  }
0x36: {  	p1 =	seq.s32 s10, $0x1;
	s10 =	sld [smem:$0x3FB6];
	_ =	sdelay $0x3  }
0x37: {  	[smem:$0x3FB6] =	sst s10  }
0x38: {  	s10 =	sld [smem:$0x3FB7]  }
0x39: {  	_ = 	snop;
	(pc) =	sbr.ind lr, $3  }
0x3a: {  	_ = 	snop  }
0x3b: {  	_ = 	snop  }
0x3c: {  	p2 =	seq.s32 s10, $0x1;
	s10 =	sld [smem:$0x3FB6]  }
0x3d: {  	_ =	shalt  }
0x3e: {  	_ =	shalt  }
0x3f: {  	_ =	shalt  }
0x40: {  	_ =	shalt  }
0x41: {  	_ =	shalt  }
0x42: {  	_ =	shalt  }
0x43: {  	_ =	shalt  }
0x44: {  	_ =	shalt  }
0x45: {  	_ =	shalt  }
0x46: {  	_ =	shalt  }
0x47: {  	_ =	shalt  }
0x48: {  	_ =	shalt  }
0x49: {  	_ =	shalt  }
0x4a: {  	_ =	shalt  }
0x4b: {  	_ =	shalt  }
0x4c: {  	_ =	shalt  }
0x4d: {  	_ =	shalt  }
0x4e: {  	_ =	shalt  }
0x4f: {  	_ =	shalt  }
0x50: {  	_ =	shalt  }
0x51: {  	_ =	shalt  }
0x52: {  	_ =	shalt  }
0x53: {  	_ =	shalt  }
0x54: {  	_ =	shalt  }
0x55: {  	_ =	shalt  }
0x56: {  	_ =	shalt  }
0x57: {  	_ =	shalt  }
0x58: {  	_ =	shalt  }
0x59: {  	_ =	shalt  }
0x5a: {  	_ =	shalt  }
0x5b: {  	_ =	shalt  }
0x5c: {  	_ =	shalt  }
0x5d: {  	_ =	shalt  }
0x5e: {  	_ =	shalt  }
0x5f: {  	_ =	shalt  }
0x60: {  	_ =	shalt  }
0x61: {  	_ =	shalt  }
0x62: {  	_ =	shalt  }
0x63: {  	_ =	shalt  }
0x64: {  	_ =	shalt  }
0x65: {  	_ =	shalt  }
0x66: {  	_ =	shalt  }
0x67: {  	_ =	shalt  }
0x68: {  	_ =	shalt  }
0x69: {  	_ =	shalt  }
0x6a: {  	_ =	shalt  }
0x6b: {  	_ =	shalt  }
0x6c: {  	_ =	shalt  }
0x6d: {  	_ =	shalt  }
0x6e: {  	_ =	shalt  }
0x6f: {  	_ =	shalt  }
0x70: {  	_ =	shalt  }
0x71: {  	_ =	shalt  }
0x72: {  	_ =	shalt  }
0x73: {  	_ =	shalt  }
0x74: {  	_ =	shalt  }
0x75: {  	_ =	shalt  }
0x76: {  	_ =	shalt  }
0x77: {  	_ =	shalt  }
0x78: {  	_ =	shalt  }
0x79: {  	_ =	shalt  }
0x7a: {  	_ =	shalt  }
0x7b: {  	_ =	shalt  }
0x7c: {  	_ =	shalt  }
0x7d: {  	_ =	shalt  }
0x7e: {  	_ =	shalt  }
0x7f: {  	_ =	shalt  }
0x80: {  	_ =	shalt  }
0x81: {  	_ =	shalt  }
0x82: {  	_ =	shalt  }
0x83: {  	_ =	shalt  }
0x84: {  	_ =	shalt  }
0x85: {  	_ =	shalt  }
0x86: {  	_ =	shalt  }
0x87: {  	_ =	shalt  }
.Lfunc_end0:
.L_simem_size_0:
called_computation_lowered:
.L_overlay_start_0:
0x88: {  	s2 =	sld [smem:$0x3FD9]  }
0x89: {  	s3 =	sld [smem:$0x3FFE];
	_ =	sdelay $0x1  }
0x8a: {  	s1 =	srdreg.scid  }
0x8b: {  	s0 =	sand.u32 $0x1, s1  }
0x8c: {  	s17 =	sshll.u32 s0, $0xA;
	s2 =	sadd.s32 s3, s2  }
0x8d: {  	s2 =	sadd.s32 s2, s17  }
0x8e: {  	[smem:$0x3FC2] =	sst s2  }
0x8f: {  	_ = 	snop  }
0x90: {  	s2 =	sld [smem:$0x3FC9]  }
0x91: {  	s18 =	sld [smem:$0x3FC8]  }
0x92: {  	s4 =	sld [smem:$0x3FD0];
	(tm) =	ssettm $0x1  }
0x93: {  	s5 =	sld [smem:$0x3FFB];
	_ =	sdelay $0x3  }
0x94: {  	_ =	strace s5  }
0x95: {  	s5 =	sld [smem:$0x3FFC];
	_ =	sdelay $0x3  }
0x96: {  	_ =	strace s5  }
0x97: {  	s5 =	sld [smem:$0x3FFD];
	_ =	sdelay $0x3  }
0x98: {  	_ =	strace s5  }
0x99: {  	_ =	strace $0x8FFFFFFF  }
0x9a: {  	s19 =	sld [smem:$0x3FDB];
	_ =	sdelay $0x1  }
0x9b: {  	s6 =	simm.s32 $_scs_section_size  }
0x9c: {  	s7 =	simm.s32 $_size__tile_overlayer_lowered;
	s8 =	simm.s32 $_tile_overlayer_lowered  }
0x9d: {  	s22 =	simm.s32 $0x1BFF;
	s21 =	sshll.u32 s8, $0x1;
	s5 =	sadd.s32 s6, s19  }
0x9e: {  	s9 =	simm.s32 $0x0;
	s20 =	sshll.u32 s7, $0x1;
	s7 =	sadd.s32 s21, s5  }
0x9f: {  	[timem:s9], [sflag:s22] =	dma.local [hbm:s7], s20  }
0xa0: {  	_ =	swait.ge [sflag:s22], s20  }
0xa1: {  	s6 =	ssub.s32 $0x0, s20;
	[sflag:s22] =	ssyncset.done $0x0  }
0xa2: {  	[sflag:s22] =	ssyncadd.s32 s6;
	_ =	sdelay $0x1  }
0xa3: {  	s23 =	simm.s32 $0x1B8B  }
0xa4: {  	_ =	swait.ge [sflag:s23], $0x1  }
0xa5: {  	[sflag:s23] =	ssyncset.done $0x0  }
0xa6: {  	s25 =	simm.s32 $0x1B8E;
	s24 =	sld [smem:$0x3FFE];
	[sflag:s23] =	ssyncadd.s32 $0xFFFFFFFF  }
0xa7: {  	s26 =	simm.s32 $execute0_lowered;
	[smem:$0x3FD2] =	sst s25  }
0xa8: {  	s7 =	sshll.u32 s26, $0x1;
	_ =	strace $0x80000046;
	[dreg:$0x1] =	wrdreg $0xFFFFFFFF  }
0xa9: {  	s28 =	simm.s32 $_size_execute0_lowered;
	s5 =	sadd.s32 s5, s7;
	[dreg:$0x0] =	wrdreg $0x0  }
0xaa: {  	s7 =	sshll.u32 s28, $0x1;
	[dreg:$0x2] =	wrdreg s5  }
0xab: {  	[dreg:$0x3] =	wrdreg s7  }
0xac: {  	[dreg:$0x4] =	wrdreg $0xC0  }
0xad: {  	_ =	task [dreg:s9], $0x5FFFF  }
0xae: {  	[dreg:$0x1] =	wrdreg $0xFFFFFFFF  }
0xaf: {  	[dreg:$0x0] =	wrdreg $0x60  }
0xb0: {  	[dreg:$0x2] =	wrdreg s2  }
0xb1: {  	[dreg:$0x3] =	wrdreg s18  }
0xb2: {  	[dreg:$0x4] =	wrdreg s24  }
0xb3: {  	[dreg:$0x5] =	wrdreg s4  }
0xb4: {  	[dreg:$0x6] =	wrdreg $0x9  }
0xb5: {  	_ =	task.clear_ibuf [dreg:s9], $0x7FFFF;
	_ =	strace $0x90000046  }
0xb6: {  	s29 =	simm.s32 $0x9;
	_ =	strace $0x80000048  }
0xb7: {  	_ =	swait.ge [sflag:s29], $0x1  }
0xb8: {  	[sflag:s29] =	ssyncadd.s32 $0xFFFFFFFF  }
0xb9: {  	_ =	strace $0x90000048  }
0xba: {  	_ =	sfence  }
0xbb: {  	s30 =	sld [smem:$0x0];
	_ =	sdelay $0x2  }
0xbc: {  	s31 =	sshll.u32 s1, $0xD;
	s1 =	sshrl.u32 s1, $0x2  }
0xbd: {  	s3 =	sand.u32 $0x4000, s31;
	s1 =	sadd.s32 s1, s30  }
0xbe: {  	s0 =	sor.u32 s3, s0;
	s1 =	sshll.u32 s1, $0x11  }
0xbf: {  	s0 =	sor.u32 s1, s0  }
0xc0: {  	s0 =	sadd.s32 $0x8F2B, s0  }
0xc1: {  	[sflag:s0] =	ssyncadd.remote.s32 $0x1  }
0xc2: {  	_ =	sfence.sel $0xFFFF  }
0xc3: {  	[dreg:$0x0] =	wrdreg $0xFFFFFFFF;
	(pc) =	sbr.abs _section_cstart, $3  }
0xc4: {  	[dreg:$0x1] =	wrdreg $0xFFFFFFFF  }
0xc5: {  	_ =	task.clear_ibuf [dreg:s9], $0x2FFFF;
	_ =	strace $0x9FFFFFFF  }
0xc6: {  	(tm) =	ssettm $0x7FFFFFFF  }
0xc7: {  	_ =	shalt  }
tec
execute0_lowered:
.L_overlay_start_1:
0x0: {  	(tag) =	ssettag $0x1  }
0x1: {  	s0 =	rddreg [dreg:$0x0]  }
0x2: {  	s7 =	rddreg [dreg:$0x1]  }
0x3: {  	s5 =	rddreg [dreg:$0x2]  }
0x4: {  	s8 =	rddreg [dreg:$0x3]  }
0x5: {  	s1 =	simm.s32 $0x0;
	s2 =	srdreg.scid;
	s12 =	simm.s32 $0x8400  }
0x6: {  	s13 =	simm.s32 $0x80;
	s14 =	simm.s32 $0x400;
	s15 =	simm.s32 $0x4400  }
0x7: {  	s16 =	simm.s32 $0x1400;
	s17 =	simm.s32 $0x280;
	s18 =	simm.s32 $0x5400  }
0x8: {  	s19 =	simm.s32 $0x100;
	s20 =	simm.s32 $0x2400;
	s21 =	simm.s32 $0x300  }
0x9: {  	s22 =	simm.s32 $0x6400;
	s23 =	simm.s32 $0x180;
	s24 =	simm.s32 $0x3400  }
0xa: {  	s25 =	simm.s32 $0x380;
	s26 =	simm.s32 $0x7400;
	s28 =	simm.s32 $0x1  }
0xb: {  	s29 =	simm.s32 $0x8430;
	s30 =	simm.s32 $0x0;
	[smem:$0x7FF] =	sst s1  }
0xc: {  	s3 =	sadd.s32 $0x1313400, s5;
	s6 =	sand.u32 $0x1, s2;
	s4 =	sadd.s32 $0xF42A00, s5  }
0xd: {  	s2 =	stileid.u32;
	s5 =	sadd.s32 $0x600, s5;
	_ =	strace $0x80000047  }
0xe: {  	s9 =	ssub.s32 $0x2, s6;
	s11 =	sshll.u32 s2, $0x7;
	s6 =	sshll.u32 s6, $0x6  }
0xf: {  	v0 =	vlaneseq.u32;
	s10 =	sshrl.u32 s9, $0x1;
	s31 =	sor.u32 s6, s11;
	s11 =	simm.s32 $0x200  }
0x10: {  	v0 =	vmul.u32 $0x20, v0;
	s9 =	ssub.s32 s9, s10;
	s6 =	sadd.s32 s0, s31;
	s7 =	sadd.s32 s7, s31  }
0x11: {  	s8 =	sadd.s32 s8, s31;
	s10 =	simm.s32 $0x2;
	s9 =	smax.u32 s9, $0x1  }
.LBB2_1:
0x12: {  	[tilespmem:s1], [sflag:$0x2] =	stream.linear.gather [hbm4b:s6+s1], $0x200, $0x38;
	[tilespmem:$0x8630] =	vst v63  }
0x13: {  	_ =	swait.ge [sflag:s10], $0x200  }
0x14: {  	[sflag:s10] =	ssyncset.done $0x0  }
0x15: {  	[sflag:s10] =	ssyncadd.s32 $0xFFFFFE00  }
0x16: {  	[tilespmem:s11], [sflag:$0x2] =	stream.linear.gather [hbm4b:s7+s1], $0x200, $0x38;
	[tilespmem:$0x8630] =	vst v63  }
0x17: {  	_ =	swait.ge [sflag:s10], $0x200  }
0x18: {  	[sflag:s10] =	ssyncset.done $0x0  }
0x19: {  	[sflag:s10] =	ssyncadd.s32 $0xFFFFFE00  }
0x1a: {  	[tilespmem:s12], [sflag:$0x2] =	stream.linear.gather [hbm4b:s5+s1], $0x30, $0x38;
	[tilespmem:$0x8630] =	vst v63  }
0x1b: {  	_ =	swait.ge [sflag:s10], $0x30  }
0x1c: {  	[sflag:s10] =	ssyncset.done $0x0  }
0x1d: {  	[sflag:s10] =	ssyncadd.s32 $0xFFFFFFD0  }
0x1e: {  	[tilespmem:s14], [sflag:$0x1] =	stream.indirect.gather [hbm4b:s3+s13], $0x20, s1, s13, $0xb8;
	[tilespmem:$0x8630] =	vst v63  }
0x1f: {  	_ = 	snop  }
0x20: {  	[tilespmem:s15], [sflag:$0x1] =	stream.indirect.gather [hbm4b:s4+s13], $0x20, s11, s13, $0xb8;
	[tilespmem:$0x8630] =	vst v63  }
0x21: {  	_ = 	snop  }
0x22: {  	[tilespmem:s16], [sflag:$0x1] =	stream.indirect.gather [hbm4b:s3+s13], $0x20, s13, s13, $0xb8;
	[tilespmem:$0x8630] =	vst v63  }
0x23: {  	_ = 	snop  }
0x24: {  	[tilespmem:s18], [sflag:$0x1] =	stream.indirect.gather [hbm4b:s4+s13], $0x20, s17, s13, $0xb8;
	[tilespmem:$0x8630] =	vst v63  }
0x25: {  	_ = 	snop  }
0x26: {  	[tilespmem:s20], [sflag:$0x1] =	stream.indirect.gather [hbm4b:s3+s13], $0x20, s19, s13, $0xb8;
	[tilespmem:$0x8630] =	vst v63  }
0x27: {  	_ = 	snop  }
0x28: {  	[tilespmem:s22], [sflag:$0x1] =	stream.indirect.gather [hbm4b:s4+s13], $0x20, s21, s13, $0xb8;
	[tilespmem:$0x8630] =	vst v63  }
0x29: {  	_ = 	snop  }
0x2a: {  	[tilespmem:s24], [sflag:$0x1] =	stream.indirect.gather [hbm4b:s3+s13], $0x20, s23, s13, $0xb8;
	[tilespmem:$0x8630] =	vst v63  }
0x2b: {  	_ = 	snop  }
0x2c: {  	[tilespmem:s26], [sflag:$0x1] =	stream.indirect.gather [hbm4b:s4+s13], $0x20, s25, s13, $0xb8;
	[tilespmem:$0x8630] =	vst v63  }
0x2d: {  	_ =	swait.ge [sflag:s28], $0x1000  }
0x2e: {  	[sflag:s28] =	ssyncset.done $0x0  }
0x2f: {  	[sflag:s28] =	ssyncadd.s32 $0xFFFFF000  }
0x30: {  	_ =	swait.ge [sflag:s28], $0x1000  }
0x31: {  	[sflag:s28] =	ssyncset.done $0x0  }
0x32: {  	[sflag:s28] =	ssyncadd.s32 $0xFFFFF000  }
0x33: {  	_ =	swait.ge [sflag:s28], $0x1000  }
0x34: {  	[sflag:s28] =	ssyncset.done $0x0  }
0x35: {  	[sflag:s28] =	ssyncadd.s32 $0xFFFFF000  }
0x36: {  	_ =	swait.ge [sflag:s28], $0x1000  }
0x37: {  	[sflag:s28] =	ssyncset.done $0x0  }
0x38: {  	[sflag:s28] =	ssyncadd.s32 $0xFFFFF000  }
0x39: {  	_ =	swait.ge [sflag:s28], $0x1000  }
0x3a: {  	[sflag:s28] =	ssyncset.done $0x0  }
0x3b: {  	[sflag:s28] =	ssyncadd.s32 $0xFFFFF000  }
0x3c: {  	_ =	swait.ge [sflag:s28], $0x1000  }
0x3d: {  	[sflag:s28] =	ssyncset.done $0x0  }
0x3e: {  	[sflag:s28] =	ssyncadd.s32 $0xFFFFF000  }
0x3f: {  	v1 =	vmov s1;
	_ =	swait.ge [sflag:s28], $0x1000  }
0x40: {  	v1 =	vshll.u32 v1, $0x5;
	[sflag:s28] =	ssyncset.done $0x0  }
0x41: {  	v28 =	vor.u32 v0, v1;
	[sflag:s28] =	ssyncadd.s32 $0xFFFFF000  }
0x42: {  	_ =	swait.ge [sflag:s28], $0x1000  }
0x43: {  	v1 =	vor.u32 $0x1, v28;
	[sflag:s28] =	ssyncset.done $0x0  }
0x44: {  	[sflag:s28] =	ssyncadd.s32 $0xFFFFF000  }
0x45: {  	v2 =	vor.u32 $0x2, v28;
	v16 =	vld [tilespmem:$0x8400]  }
0x46: {  	v3 =	vld.idx.msk [tilespmem:v28+s15+$0x0], $0xffff  }
0x47: {  	v6 =	vor.u32 $0x3, v28;
	v4 =	vld.idx.msk [tilespmem:v28+s14+$0x0], $0xffff  }
0x48: {  	v9 =	vor.u32 $0x4, v28;
	v7 =	vld.idx.msk [tilespmem:v1+s14+$0x0], $0xffff  }
0x49: {  	v12 =	vor.u32 $0x5, v28;
	v8 =	vld.idx.msk [tilespmem:v1+s15+$0x0], $0xffff  }
0x4a: {  	v10 =	vld.idx.msk [tilespmem:v2+s14+$0x0], $0xffff  }
0x4b: {  	v11 =	vld.idx.msk [tilespmem:v2+s15+$0x0], $0xffff  }
0x4c: {  	v13 =	vld.idx.msk [tilespmem:v6+s14+$0x0], $0xffff  }
0x4d: {  	v14 =	vld.idx.msk [tilespmem:v9+s14+$0x0], $0xffff  }
0x4e: {  	v15 =	vld.idx.msk [tilespmem:v12+s14+$0x0], $0xffff  }
0x4f: {  	v2 =	vmul.f32 v3, v4;
	v4 =	vld.idx.msk [tilespmem:v6+s15+$0x0], $0xffff;
	v6 =	vor.u32 $0x6, v28  }
0x50: {  	v12 =	vld.idx.msk [tilespmem:v12+s15+$0x0], $0xffff;
	v5 =	vbroadcast v16, $0x0  }
0x51: {  	v1 =	vbroadcast v16, $0x1;
	v7 =	vmul.f32 v8, v7;
	v8 =	vld.idx.msk [tilespmem:v9+s15+$0x0], $0xffff;
	v9 =	vor.u32 $0x7, v28  }
0x52: {  	v10 =	vmul.f32 v11, v10;
	v11 =	vor.u32 $0x8, v28;
	v3 =	vmul.f32 v2, v5;
	_ =	sdelay $0x1  }
0x53: {  	v2 =	vbroadcast v16, $0x2;
	v7 =	vmul.f32 v7, v1;
	v17 =	vadd.f32 $0.0e+00, v3;
	v18 =	vld.idx.msk [tilespmem:v6+s14+$0x0], $0xffff  }
0x54: {  	v12 =	vmul.f32 v12, v15;
	v15 =	vor.u32 $0xB, v28;
	v3 =	vbroadcast v16, $0x3;
	v19 =	vld.idx.msk [tilespmem:v6+s15+$0x0], $0xffff  }
0x55: {  	v10 =	vmul.f32 v10, v2;
	v13 =	vmul.f32 v4, v13;
	v20 =	vld.idx.msk [tilespmem:v9+s14+$0x0], $0xffff;
	v7 =	vadd.f32 v7, v17  }
0x56: {  	v8 =	vmul.f32 v8, v14;
	v14 =	vld.idx.msk [tilespmem:v11+s14+$0x0], $0xffff;
	v17 =	vor.u32 $0x9, v28  }
0x57: {  	v4 =	vbroadcast v16, $0x4;
	v11 =	vld.idx.msk [tilespmem:v11+s15+$0x0], $0xffff;
	v7 =	vadd.f32 v10, v7;
	v10 =	vmul.f32 v13, v3  }
0x58: {  	v6 =	vbroadcast v16, $0x5;
	v9 =	vld.idx.msk [tilespmem:v9+s15+$0x0], $0xffff;
	v13 =	vor.u32 $0xA, v28  }
0x59: {  	v23 =	vld.idx.msk [tilespmem:v15+s14+$0x0], $0xffff;
	v8 =	vmul.f32 v8, v4;
	v10 =	vadd.f32 v10, v7  }
0x5a: {  	v15 =	vld.idx.msk [tilespmem:v15+s15+$0x0], $0xffff;
	v12 =	vmul.f32 v12, v6;
	v7 =	vbroadcast v16, $0x6  }
0x5b: {  	v18 =	vmul.f32 v19, v18;
	v19 =	vor.u32 $0xC, v28;
	v21 =	vld.idx.msk [tilespmem:v17+s14+$0x0], $0xffff;
	v10 =	vadd.f32 v8, v10  }
0x5c: {  	v11 =	vmul.f32 v11, v14;
	v14 =	vor.u32 $0xE, v28;
	v17 =	vld.idx.msk [tilespmem:v17+s15+$0x0], $0xffff;
	v8 =	vbroadcast v16, $0x7  }
0x5d: {  	v22 =	vld.idx.msk [tilespmem:v13+s14+$0x0], $0xffff;
	v10 =	vadd.f32 v12, v10;
	v12 =	vmul.f32 v18, v7;
	v18 =	vmul.f32 v9, v20  }
0x5e: {  	v13 =	vld.idx.msk [tilespmem:v13+s15+$0x0], $0xffff;
	v9 =	vbroadcast v16, $0x8  }
0x5f: {  	v32 =	vld [tilespmem:$0x8410];
	v20 =	vor.u32 $0xD, v28;
	v12 =	vadd.f32 v12, v10;
	v18 =	vmul.f32 v18, v8  }
0x60: {  	v15 =	vmul.f32 v15, v23;
	v23 =	vor.u32 $0x11, v28;
	v24 =	vld.idx.msk [tilespmem:v19+s14+$0x0], $0xffff;
	v10 =	vbroadcast v16, $0x9  }
0x61: {  	v19 =	vld.idx.msk [tilespmem:v19+s15+$0x0], $0xffff;
	v17 =	vmul.f32 v17, v21;
	v12 =	vadd.f32 v18, v12;
	v18 =	vmul.f32 v11, v9  }
0x62: {  	v26 =	vld.idx.msk [tilespmem:v14+s14+$0x0], $0xffff;
	v21 =	vor.u32 $0xF, v28;
	v11 =	vbroadcast v16, $0xA  }
0x63: {  	v27 =	vld.idx.msk [tilespmem:v14+s15+$0x0], $0xffff;
	v17 =	vmul.f32 v17, v10;
	v13 =	vmul.f32 v13, v22;
	v18 =	vadd.f32 v18, v12  }
0x64: {  	v22 =	vor.u32 $0x10, v28;
	v25 =	vld.idx.msk [tilespmem:v20+s14+$0x0], $0xffff  }
0x65: {  	v20 =	vld.idx.msk [tilespmem:v20+s15+$0x0], $0xffff;
	v12 =	vbroadcast v16, $0xB;
	v17 =	vadd.f32 v17, v18;
	v18 =	vmul.f32 v13, v11  }
0x66: {  	v30 =	vld.idx.msk [tilespmem:v23+s14+$0x0], $0xffff;
	v13 =	vbroadcast v16, $0xC  }
0x67: {  	v29 =	vld.idx.msk [tilespmem:v21+s14+$0x0], $0xffff;
	v15 =	vmul.f32 v15, v12;
	v17 =	vadd.f32 v18, v17;
	v18 =	vmul.f32 v19, v24  }
0x68: {  	v21 =	vld.idx.msk [tilespmem:v21+s15+$0x0], $0xffff;
	v19 =	vor.u32 $0x12, v28  }
0x69: {  	v23 =	vld.idx.msk [tilespmem:v23+s15+$0x0], $0xffff;
	v17 =	vadd.f32 v15, v17;
	v18 =	vmul.f32 v18, v13  }
0x6a: {  	v14 =	vbroadcast v16, $0xD;
	v24 =	vld.idx.msk [tilespmem:v22+s14+$0x0], $0xffff;
	v20 =	vmul.f32 v20, v25;
	v25 =	vor.u32 $0x13, v28  }
0x6b: {  	v22 =	vld.idx.msk [tilespmem:v22+s15+$0x0], $0xffff;
	v15 =	vbroadcast v16, $0xE;
	v17 =	vadd.f32 v18, v17  }
0x6c: {  	v18 =	vmul.f32 v20, v14;
	v20 =	vmul.f32 v27, v26;
	v26 =	vor.u32 $0x14, v28  }
0x6d: {  	v16 =	vbroadcast v16, $0xF;
	v21 =	vmul.f32 v21, v29;
	v27 =	vld.idx.msk [tilespmem:v19+s14+$0x0], $0xffff  }
0x6e: {  	v29 =	vor.u32 $0x15, v28;
	v31 =	vld.idx.msk [tilespmem:v19+s15+$0x0], $0xffff;
	v18 =	vadd.f32 v18, v17;
	v20 =	vmul.f32 v20, v15  }
0x6f: {  	v23 =	vmul.f32 v23, v30;
	v30 =	vor.u32 $0x17, v28;
	v33 =	vld.idx.msk [tilespmem:v25+s14+$0x0], $0xffff;
	v17 =	vbroadcast v32, $0x0  }
0x70: {  	v19 =	vadd.f32 v20, v18;
	v20 =	vmul.f32 v21, v16;
	v21 =	vmul.f32 v22, v24;
	v24 =	vld.idx.msk [tilespmem:v25+s15+$0x0], $0xffff  }
0x71: {  	v18 =	vbroadcast v32, $0x1;
	v22 =	vor.u32 $0x16, v28;
	v25 =	vld.idx.msk [tilespmem:v26+s14+$0x0], $0xffff  }
0x72: {  	v26 =	vld.idx.msk [tilespmem:v26+s15+$0x0], $0xffff;
	v20 =	vadd.f32 v20, v19;
	v21 =	vmul.f32 v21, v17  }
0x73: {  	v34 =	vld.idx.msk [tilespmem:v29+s14+$0x0], $0xffff;
	v19 =	vbroadcast v32, $0x2;
	v23 =	vmul.f32 v23, v18  }
0x74: {  	v29 =	vld.idx.msk [tilespmem:v29+s15+$0x0], $0xffff;
	v27 =	vmul.f32 v31, v27;
	v31 =	vor.u32 $0x18, v28;
	v21 =	vadd.f32 v21, v20  }
0x75: {  	v59 =	vor.u32 $0x19, v28;
	v37 =	vld.idx.msk [tilespmem:v30+s14+$0x0], $0xffff;
	v20 =	vbroadcast v32, $0x3  }
0x76: {  	v27 =	vmul.f32 v27, v19;
	v35 =	vld.idx.msk [tilespmem:v22+s14+$0x0], $0xffff;
	v24 =	vmul.f32 v24, v33;
	v23 =	vadd.f32 v23, v21  }
0x77: {  	v36 =	vld.idx.msk [tilespmem:v22+s15+$0x0], $0xffff;
	v21 =	vbroadcast v32, $0x4;
	v25 =	vmul.f32 v26, v25  }
0x78: {  	v26 =	vor.u32 $0x1A, v28;
	v24 =	vmul.f32 v24, v20;
	v23 =	vadd.f32 v27, v23;
	v27 =	vld.idx.msk [tilespmem:v30+s15+$0x0], $0xffff  }
0x79: {  	v29 =	vmul.f32 v29, v34;
	v22 =	vbroadcast v32, $0x5;
	v30 =	vld.idx.msk [tilespmem:v31+s14+$0x0], $0xffff  }
0x7a: {  	v60 =	vor.u32 $0x1B, v28;
	v25 =	vmul.f32 v25, v21;
	v31 =	vld.idx.msk [tilespmem:v31+s15+$0x0], $0xffff;
	v24 =	vadd.f32 v24, v23  }
0x7b: {  	v61 =	vor.u32 $0x1C, v28;
	v38 =	vld.idx.msk [tilespmem:v59+s14+$0x0], $0xffff;
	v29 =	vmul.f32 v29, v22  }
0x7c: {  	v33 =	vld.idx.msk [tilespmem:v59+s15+$0x0], $0xffff;
	v23 =	vbroadcast v32, $0x6;
	v35 =	vmul.f32 v36, v35;
	v25 =	vadd.f32 v25, v24  }
0x7d: {  	v62 =	vor.u32 $0x1D, v28;
	v39 =	vld.idx.msk [tilespmem:v26+s14+$0x0], $0xffff;
	v24 =	vbroadcast v32, $0x7  }
0x7e: {  	v40 =	vld.idx.msk [tilespmem:v26+s15+$0x0], $0xffff;
	v35 =	vmul.f32 v35, v23;
	v27 =	vmul.f32 v27, v37;
	v29 =	vadd.f32 v29, v25  }
0x7f: {  	v41 =	vld.idx.msk [tilespmem:v60+s14+$0x0], $0xffff;
	v30 =	vmul.f32 v31, v30;
	v31 =	vor.u32 $0x1E, v28  }
0x80: {  	v34 =	vld.idx.msk [tilespmem:v60+s15+$0x0], $0xffff;
	v25 =	vbroadcast v32, $0x8;
	v27 =	vmul.f32 v27, v24;
	v29 =	vadd.f32 v35, v29  }
0x81: {  	v45 =	vor.u32 $0x1F, v28;
	v63 =	vld.idx.msk [tilespmem:v61+s14+$0x0], $0xffff;
	v33 =	vmul.f32 v33, v38  }
0x82: {  	v42 =	vld.idx.msk [tilespmem:v62+s14+$0x0], $0xffff;
	v26 =	vbroadcast v32, $0x9;
	v30 =	vmul.f32 v30, v25;
	v29 =	vadd.f32 v27, v29  }
0x83: {  	v36 =	vld.idx.msk [tilespmem:v61+s15+$0x0], $0xffff;
	v46 =	vmul.f32 v40, v39  }
0x84: {  	v37 =	vld.idx.msk [tilespmem:v62+s15+$0x0], $0xffff;
	v27 =	vbroadcast v32, $0xA;
	v29 =	vadd.f32 v30, v29;
	v30 =	vmul.f32 v33, v26  }
0x85: {  	v34 =	vmul.f32 v34, v41;
	v28 =	vbroadcast v32, $0xB;
	v47 =	vld.idx.msk [tilespmem:v31+s14+$0x0], $0xffff  }
0x86: {  	v48 =	vld.idx.msk [tilespmem:v31+s15+$0x0], $0xffff;
	v33 =	vmul.f32 v46, v27;
	v30 =	vadd.f32 v30, v29  }
0x87: {  	v49 =	vld.idx.msk [tilespmem:v45+s14+$0x0], $0xffff;
	v50 =	vmul.f32 v34, v28  }
0x88: {  	v52 =	vld.idx.msk [tilespmem:v45+s15+$0x0], $0xffff;
	v51 =	vmul.f32 v36, v63;
	v29 =	vbroadcast v32, $0xC;
	v31 =	vadd.f32 v33, v30  }
0x89: {  	v53 =	vmul.f32 v37, v42  }
0x8a: {  	v30 =	vbroadcast v32, $0xD;
	v34 =	vmul.f32 v51, v29;
	v33 =	vadd.f32 v50, v31  }
0x8b: {  	v55 =	vmul.f32 v48, v47  }
0x8c: {  	v31 =	vbroadcast v32, $0xE;
	v54 =	vmul.f32 v53, v30;
	v33 =	vadd.f32 v34, v33  }
0x8d: {  	v35 =	vmul.f32 v52, v49  }
0x8e: {  	v32 =	vbroadcast v32, $0xF;
	v36 =	vmul.f32 v55, v31;
	v34 =	vadd.f32 v54, v33  }
0x8f: {  	s0 =	simm.s32 $0x10;
	v33 =	vld.msk [tilespmem:$0x8420 ss:$0x0], $0xffff  }
0x90: {  	v56 =	vmov s0;
	v35 =	vmul.f32 v35, v32;
	v36 =	vadd.f32 v36, v34  }
0x91: {  	v57 =	vshll.u32 v56, $0x5  }
0x92: {  	v34 =	vor.u32 v0, v57;
	v35 =	vadd.f32 v35, v36;
	_ =	sdelay $0x1  }
0x93: {  	v58 =	vor.u32 $0x1, v34;
	v35 =	vadd.f32 v35, v33;
	_ =	sdelay $0x1  }
0x94: {  	v59 =	vor.u32 $0x2, v34;
	[tilespmem:s29+$0x0] =	vst v35  }
0x95: {  	v35 =	vld.idx.msk [tilespmem:v34+s15+$0x0], $0xffff  }
0x96: {  	v61 =	vor.u32 $0x3, v34;
	v60 =	vld.idx.msk [tilespmem:v34+s14+$0x0], $0xffff  }
0x97: {  	v62 =	vld.idx.msk [tilespmem:v58+s14+$0x0], $0xffff  }
0x98: {  	v63 =	vor.u32 $0x4, v34;
	v36 =	vld.idx.msk [tilespmem:v58+s15+$0x0], $0xffff  }
0x99: {  	v48 =	vld.idx.msk [tilespmem:v59+s14+$0x0], $0xffff  }
0x9a: {  	v43 =	vor.u32 $0x5, v34;
	v37 =	vld.idx.msk [tilespmem:v59+s15+$0x0], $0xffff  }
0x9b: {  	v44 =	vld.idx.msk [tilespmem:v61+s14+$0x0], $0xffff;
	v35 =	vmul.f32 v35, v60  }
0x9c: {  	v50 =	vor.u32 $0x6, v34;
	v49 =	vld.idx.msk [tilespmem:v61+s15+$0x0], $0xffff  }
0x9d: {  	v45 =	vld.idx.msk [tilespmem:v63+s14+$0x0], $0xffff;
	v36 =	vmul.f32 v36, v62;
	v35 =	vmul.f32 v35, v5  }
0x9e: {  	v52 =	vor.u32 $0x7, v34;
	v51 =	vld.idx.msk [tilespmem:v63+s15+$0x0], $0xffff  }
0x9f: {  	v46 =	vld.idx.msk [tilespmem:v43+s14+$0x0], $0xffff;
	v37 =	vmul.f32 v37, v48;
	v36 =	vmul.f32 v36, v1;
	v35 =	vadd.f32 $0.0e+00, v35  }
0xa0: {  	v53 =	vor.u32 $0x8, v34;
	v43 =	vld.idx.msk [tilespmem:v43+s15+$0x0], $0xffff  }
0xa1: {  	v47 =	vld.idx.msk [tilespmem:v50+s14+$0x0], $0xffff;
	v55 =	vmul.f32 v49, v44;
	v54 =	vmul.f32 v37, v2;
	v35 =	vadd.f32 v36, v35  }
0xa2: {  	v56 =	vor.u32 $0x9, v34;
	v39 =	vld.idx.msk [tilespmem:v50+s15+$0x0], $0xffff  }
0xa3: {  	v57 =	vld.idx.msk [tilespmem:v52+s14+$0x0], $0xffff;
	v59 =	vmul.f32 v51, v45;
	v58 =	vmul.f32 v55, v3;
	v35 =	vadd.f32 v54, v35  }
0xa4: {  	v41 =	vld.idx.msk [tilespmem:v52+s15+$0x0], $0xffff;
	v60 =	vor.u32 $0xA, v34  }
0xa5: {  	v61 =	vld.idx.msk [tilespmem:v53+s14+$0x0], $0xffff;
	v63 =	vmul.f32 v43, v46;
	v62 =	vmul.f32 v59, v4;
	v35 =	vadd.f32 v58, v35  }
0xa6: {  	v42 =	vld.idx.msk [tilespmem:v53+s15+$0x0], $0xffff;
	v48 =	vor.u32 $0xB, v34  }
0xa7: {  	v38 =	vld.idx.msk [tilespmem:v56+s15+$0x0], $0xffff;
	v51 =	vmul.f32 v39, v47;
	v50 =	vmul.f32 v63, v6;
	v35 =	vadd.f32 v62, v35  }
0xa8: {  	v52 =	vor.u32 $0xC, v34;
	v49 =	vld.idx.msk [tilespmem:v56+s14+$0x0], $0xffff  }
0xa9: {  	v55 =	vmul.f32 v41, v57;
	v53 =	vld.idx.msk [tilespmem:v60+s14+$0x0], $0xffff;
	v54 =	vmul.f32 v51, v7;
	v35 =	vadd.f32 v50, v35  }
0xaa: {  	v56 =	vor.u32 $0xD, v34;
	v40 =	vld.idx.msk [tilespmem:v60+s15+$0x0], $0xffff  }
0xab: {  	v59 =	vmul.f32 v42, v61;
	v57 =	vld.idx.msk [tilespmem:v48+s14+$0x0], $0xffff;
	v58 =	vmul.f32 v55, v8;
	v35 =	vadd.f32 v54, v35  }
0xac: {  	v60 =	vor.u32 $0xE, v34;
	v43 =	vld.idx.msk [tilespmem:v48+s15+$0x0], $0xffff  }
0xad: {  	v39 =	vld.idx.msk [tilespmem:v52+s15+$0x0], $0xffff;
	v63 =	vmul.f32 v38, v49;
	v62 =	vmul.f32 v59, v9;
	v35 =	vadd.f32 v58, v35  }
0xae: {  	v61 =	vld.idx.msk [tilespmem:v52+s14+$0x0], $0xffff;
	v48 =	vor.u32 $0xF, v34  }
0xaf: {  	v49 =	vld.idx.msk [tilespmem:v56+s14+$0x0], $0xffff;
	v51 =	vmul.f32 v40, v53;
	v50 =	vmul.f32 v63, v10;
	v35 =	vadd.f32 v62, v35  }
0xb0: {  	v52 =	vor.u32 $0x10, v34;
	v41 =	vld.idx.msk [tilespmem:v56+s15+$0x0], $0xffff  }
0xb1: {  	v53 =	vld.idx.msk [tilespmem:v60+s14+$0x0], $0xffff;
	v55 =	vmul.f32 v43, v57;
	v54 =	vmul.f32 v51, v11;
	v35 =	vadd.f32 v50, v35  }
0xb2: {  	v56 =	vor.u32 $0x11, v34;
	v42 =	vld.idx.msk [tilespmem:v60+s15+$0x0], $0xffff  }
0xb3: {  	v57 =	vld.idx.msk [tilespmem:v48+s14+$0x0], $0xffff;
	v59 =	vmul.f32 v39, v61;
	v58 =	vmul.f32 v55, v12;
	v35 =	vadd.f32 v54, v35  }
0xb4: {  	v60 =	vor.u32 $0x12, v34;
	v38 =	vld.idx.msk [tilespmem:v48+s15+$0x0], $0xffff  }
0xb5: {  	v40 =	vld.idx.msk [tilespmem:v52+s15+$0x0], $0xffff;
	v63 =	vmul.f32 v41, v49;
	v62 =	vmul.f32 v59, v13;
	v35 =	vadd.f32 v58, v35  }
0xb6: {  	v48 =	vor.u32 $0x13, v34;
	v61 =	vld.idx.msk [tilespmem:v52+s14+$0x0], $0xffff  }
0xb7: {  	v43 =	vld.idx.msk [tilespmem:v56+s15+$0x0], $0xffff;
	v51 =	vmul.f32 v42, v53;
	v50 =	vmul.f32 v63, v14;
	v35 =	vadd.f32 v62, v35  }
0xb8: {  	v52 =	vor.u32 $0x14, v34;
	v49 =	vld.idx.msk [tilespmem:v56+s14+$0x0], $0xffff  }
0xb9: {  	v39 =	vld.idx.msk [tilespmem:v60+s15+$0x0], $0xffff;
	v55 =	vmul.f32 v38, v57;
	v54 =	vmul.f32 v51, v15;
	v35 =	vadd.f32 v50, v35  }
0xba: {  	v56 =	vor.u32 $0x15, v34;
	v53 =	vld.idx.msk [tilespmem:v60+s14+$0x0], $0xffff  }
0xbb: {  	v41 =	vld.idx.msk [tilespmem:v48+s15+$0x0], $0xffff;
	v59 =	vmul.f32 v40, v61;
	v58 =	vmul.f32 v55, v16;
	v35 =	vadd.f32 v54, v35  }
0xbc: {  	v60 =	vor.u32 $0x16, v34;
	v57 =	vld.idx.msk [tilespmem:v48+s14+$0x0], $0xffff  }
0xbd: {  	v42 =	vld.idx.msk [tilespmem:v52+s15+$0x0], $0xffff;
	v63 =	vmul.f32 v43, v49;
	v62 =	vmul.f32 v59, v17;
	v35 =	vadd.f32 v58, v35  }
0xbe: {  	v48 =	vor.u32 $0x17, v34;
	v61 =	vld.idx.msk [tilespmem:v52+s14+$0x0], $0xffff  }
0xbf: {  	v38 =	vld.idx.msk [tilespmem:v56+s15+$0x0], $0xffff;
	v51 =	vmul.f32 v39, v53;
	v50 =	vmul.f32 v63, v18;
	v35 =	vadd.f32 v62, v35  }
0xc0: {  	v52 =	vor.u32 $0x18, v34;
	v49 =	vld.idx.msk [tilespmem:v56+s14+$0x0], $0xffff  }
0xc1: {  	v40 =	vld.idx.msk [tilespmem:v60+s15+$0x0], $0xffff;
	v55 =	vmul.f32 v41, v57;
	v54 =	vmul.f32 v51, v19;
	v35 =	vadd.f32 v50, v35  }
0xc2: {  	v56 =	vor.u32 $0x19, v34;
	v53 =	vld.idx.msk [tilespmem:v60+s14+$0x0], $0xffff  }
0xc3: {  	v43 =	vld.idx.msk [tilespmem:v48+s15+$0x0], $0xffff;
	v59 =	vmul.f32 v42, v61;
	v58 =	vmul.f32 v55, v20;
	v35 =	vadd.f32 v54, v35  }
0xc4: {  	v60 =	vor.u32 $0x1A, v34;
	v57 =	vld.idx.msk [tilespmem:v48+s14+$0x0], $0xffff  }
0xc5: {  	v39 =	vld.idx.msk [tilespmem:v52+s15+$0x0], $0xffff;
	v63 =	vmul.f32 v38, v49;
	v62 =	vmul.f32 v59, v21;
	v35 =	vadd.f32 v58, v35  }
0xc6: {  	v48 =	vor.u32 $0x1B, v34;
	v61 =	vld.idx.msk [tilespmem:v52+s14+$0x0], $0xffff  }
0xc7: {  	v41 =	vld.idx.msk [tilespmem:v56+s15+$0x0], $0xffff;
	v51 =	vmul.f32 v40, v53;
	v50 =	vmul.f32 v63, v22;
	v35 =	vadd.f32 v62, v35  }
0xc8: {  	v52 =	vor.u32 $0x1C, v34;
	v49 =	vld.idx.msk [tilespmem:v56+s14+$0x0], $0xffff  }
0xc9: {  	v42 =	vld.idx.msk [tilespmem:v60+s15+$0x0], $0xffff;
	v55 =	vmul.f32 v43, v57;
	v54 =	vmul.f32 v51, v23;
	v35 =	vadd.f32 v50, v35  }
0xca: {  	v56 =	vor.u32 $0x1D, v34;
	v53 =	vld.idx.msk [tilespmem:v60+s14+$0x0], $0xffff  }
0xcb: {  	v38 =	vld.idx.msk [tilespmem:v48+s15+$0x0], $0xffff;
	v59 =	vmul.f32 v39, v61;
	v58 =	vmul.f32 v55, v24;
	v35 =	vadd.f32 v54, v35  }
0xcc: {  	v60 =	vor.u32 $0x1E, v34;
	v57 =	vld.idx.msk [tilespmem:v48+s14+$0x0], $0xffff  }
0xcd: {  	v40 =	vld.idx.msk [tilespmem:v52+s15+$0x0], $0xffff;
	v63 =	vmul.f32 v41, v49;
	v62 =	vmul.f32 v59, v25;
	v35 =	vadd.f32 v58, v35  }
0xce: {  	v34 =	vor.u32 $0x1F, v34;
	v61 =	vld.idx.msk [tilespmem:v52+s14+$0x0], $0xffff  }
0xcf: {  	v46 =	vld.idx.msk [tilespmem:v56+s14+$0x0], $0xffff;
	v49 =	vmul.f32 v42, v53;
	v48 =	vmul.f32 v63, v26;
	v35 =	vadd.f32 v62, v35  }
0xd0: {  	v50 =	vld.idx.msk [tilespmem:v56+s15+$0x0], $0xffff  }
0xd1: {  	v53 =	vmul.f32 v38, v57;
	v51 =	vld.idx.msk [tilespmem:v60+s14+$0x0], $0xffff;
	v52 =	vmul.f32 v49, v27;
	v35 =	vadd.f32 v48, v35  }
0xd2: {  	v54 =	vld.idx.msk [tilespmem:v60+s15+$0x0], $0xffff  }
0xd3: {  	v57 =	vmul.f32 v40, v61;
	v55 =	vld.idx.msk [tilespmem:v34+s14+$0x0], $0xffff;
	v56 =	vmul.f32 v53, v28;
	v35 =	vadd.f32 v52, v35  }
0xd4: {  	v34 =	vld.idx.msk [tilespmem:v34+s15+$0x0], $0xffff  }
0xd5: {  	v58 =	vmul.f32 v57, v29;
	v59 =	vmul.f32 v50, v46;
	v35 =	vadd.f32 v56, v35;
	_ =	sdelay $0x1  }
0xd6: {  	v60 =	vmul.f32 v59, v30;
	v61 =	vmul.f32 v54, v51;
	v35 =	vadd.f32 v58, v35;
	_ =	sdelay $0x1  }
0xd7: {  	v34 =	vmul.f32 v34, v55;
	v62 =	vmul.f32 v61, v31;
	v35 =	vadd.f32 v60, v35  }
0xd8: {  	s0 =	simm.s32 $0x20  }
0xd9: {  	v63 =	vmov s0;
	v36 =	vmul.f32 v34, v32;
	v35 =	vadd.f32 v62, v35  }
0xda: {  	s31 =	simm.s32 $0x8430;
	s0 =	simm.s32 $0x30;
	v34 =	vshll.u32 v63, $0x5  }
.LBB2_2:
0xdb: {  	p0 =	sne.s32 s0, $0x1F0;
	v34 =	vor.u32 v0, v34;
	v35 =	vadd.f32 v36, v35;
	_ =	sdelay $0x1  }
0xdc: {  	v36 =	vor.u32 $0x1, v34;
	v35 =	vadd.f32 v35, v33  }
0xdd: {  	s31 =	sadd.s32 $0x10, s31  }
0xde: {  	v37 =	vor.u32 $0x2, v34;
	[tilespmem:s31+$0x0] =	vst v35  }
0xdf: {  	v35 =	vld.idx.msk [tilespmem:v34+s15+$0x0], $0xffff  }
0xe0: {  	v39 =	vor.u32 $0x3, v34;
	v38 =	vld.idx.msk [tilespmem:v34+s14+$0x0], $0xffff  }
0xe1: {  	v40 =	vld.idx.msk [tilespmem:v36+s14+$0x0], $0xffff  }
0xe2: {  	v41 =	vor.u32 $0x4, v34;
	v36 =	vld.idx.msk [tilespmem:v36+s15+$0x0], $0xffff  }
0xe3: {  	v42 =	vld.idx.msk [tilespmem:v37+s14+$0x0], $0xffff  }
0xe4: {  	v43 =	vor.u32 $0x5, v34;
	v37 =	vld.idx.msk [tilespmem:v37+s15+$0x0], $0xffff  }
0xe5: {  	v44 =	vld.idx.msk [tilespmem:v39+s14+$0x0], $0xffff  }
0xe6: {  	v35 =	vmul.f32 v35, v38;
	v38 =	vld.idx.msk [tilespmem:v39+s15+$0x0], $0xffff;
	v39 =	vor.u32 $0x6, v34  }
0xe7: {  	v45 =	vld.idx.msk [tilespmem:v41+s14+$0x0], $0xffff  }
0xe8: {  	v35 =	vmul.f32 v35, v5;
	v36 =	vmul.f32 v36, v40;
	v40 =	vld.idx.msk [tilespmem:v41+s15+$0x0], $0xffff;
	v41 =	vor.u32 $0x7, v34  }
0xe9: {  	v47 =	vor.u32 $0x8, v34;
	v46 =	vld.idx.msk [tilespmem:v43+s14+$0x0], $0xffff  }
0xea: {  	v35 =	vadd.f32 $0.0e+00, v35;
	v36 =	vmul.f32 v36, v1;
	v37 =	vmul.f32 v37, v42;
	v42 =	vld.idx.msk [tilespmem:v43+s15+$0x0], $0xffff  }
0xeb: {  	v48 =	vor.u32 $0x9, v34;
	v43 =	vld.idx.msk [tilespmem:v39+s14+$0x0], $0xffff  }
0xec: {  	v35 =	vadd.f32 v36, v35;
	v36 =	vmul.f32 v37, v2;
	v37 =	vmul.f32 v38, v44;
	v38 =	vld.idx.msk [tilespmem:v39+s15+$0x0], $0xffff  }
0xed: {  	v44 =	vor.u32 $0xA, v34;
	v39 =	vld.idx.msk [tilespmem:v41+s14+$0x0], $0xffff  }
0xee: {  	v35 =	vadd.f32 v36, v35;
	v36 =	vmul.f32 v37, v3;
	v37 =	vmul.f32 v40, v45;
	v40 =	vld.idx.msk [tilespmem:v41+s15+$0x0], $0xffff  }
0xef: {  	v45 =	vor.u32 $0xB, v34;
	v41 =	vld.idx.msk [tilespmem:v47+s14+$0x0], $0xffff  }
0xf0: {  	v35 =	vadd.f32 v36, v35;
	v36 =	vmul.f32 v37, v4;
	v37 =	vmul.f32 v42, v46;
	v42 =	vld.idx.msk [tilespmem:v47+s15+$0x0], $0xffff  }
0xf1: {  	v47 =	vor.u32 $0xC, v34;
	v46 =	vld.idx.msk [tilespmem:v48+s14+$0x0], $0xffff  }
0xf2: {  	v35 =	vadd.f32 v36, v35;
	v36 =	vmul.f32 v37, v6;
	v37 =	vmul.f32 v38, v43;
	v38 =	vld.idx.msk [tilespmem:v48+s15+$0x0], $0xffff  }
0xf3: {  	v48 =	vor.u32 $0xD, v34;
	v43 =	vld.idx.msk [tilespmem:v44+s14+$0x0], $0xffff  }
0xf4: {  	v35 =	vadd.f32 v36, v35;
	v36 =	vmul.f32 v37, v7;
	v37 =	vmul.f32 v40, v39;
	v39 =	vld.idx.msk [tilespmem:v44+s15+$0x0], $0xffff  }
0xf5: {  	v44 =	vor.u32 $0xE, v34;
	v40 =	vld.idx.msk [tilespmem:v45+s14+$0x0], $0xffff  }
0xf6: {  	v35 =	vadd.f32 v36, v35;
	v36 =	vmul.f32 v37, v8;
	v37 =	vmul.f32 v42, v41;
	v41 =	vld.idx.msk [tilespmem:v45+s15+$0x0], $0xffff  }
0xf7: {  	v45 =	vor.u32 $0xF, v34;
	v42 =	vld.idx.msk [tilespmem:v47+s14+$0x0], $0xffff  }
0xf8: {  	v35 =	vadd.f32 v36, v35;
	v36 =	vmul.f32 v37, v9;
	v37 =	vmul.f32 v38, v46;
	v38 =	vld.idx.msk [tilespmem:v47+s15+$0x0], $0xffff  }
0xf9: {  	v47 =	vor.u32 $0x10, v34;
	v46 =	vld.idx.msk [tilespmem:v48+s14+$0x0], $0xffff  }
0xfa: {  	v35 =	vadd.f32 v36, v35;
	v36 =	vmul.f32 v37, v10;
	v37 =	vmul.f32 v39, v43;
	v39 =	vld.idx.msk [tilespmem:v48+s15+$0x0], $0xffff  }
0xfb: {  	v48 =	vor.u32 $0x11, v34;
	v43 =	vld.idx.msk [tilespmem:v44+s14+$0x0], $0xffff  }
0xfc: {  	v35 =	vadd.f32 v36, v35;
	v36 =	vmul.f32 v37, v11;
	v37 =	vmul.f32 v41, v40;
	v40 =	vld.idx.msk [tilespmem:v44+s15+$0x0], $0xffff  }
0xfd: {  	v44 =	vor.u32 $0x12, v34;
	v41 =	vld.idx.msk [tilespmem:v45+s14+$0x0], $0xffff  }
0xfe: {  	v35 =	vadd.f32 v36, v35;
	v36 =	vmul.f32 v37, v12;
	v37 =	vmul.f32 v38, v42;
	v38 =	vld.idx.msk [tilespmem:v45+s15+$0x0], $0xffff  }
0xff: {  	v45 =	vor.u32 $0x13, v34;
	v42 =	vld.idx.msk [tilespmem:v47+s14+$0x0], $0xffff  }
0x100: {  	v35 =	vadd.f32 v36, v35;
	v36 =	vmul.f32 v37, v13;
	v37 =	vmul.f32 v39, v46;
	v39 =	vld.idx.msk [tilespmem:v47+s15+$0x0], $0xffff  }
0x101: {  	v47 =	vor.u32 $0x14, v34;
	v46 =	vld.idx.msk [tilespmem:v48+s14+$0x0], $0xffff  }
0x102: {  	v35 =	vadd.f32 v36, v35;
	v36 =	vmul.f32 v37, v14;
	v37 =	vmul.f32 v40, v43;
	v40 =	vld.idx.msk [tilespmem:v48+s15+$0x0], $0xffff  }
0x103: {  	v48 =	vor.u32 $0x15, v34;
	v43 =	vld.idx.msk [tilespmem:v44+s14+$0x0], $0xffff  }
0x104: {  	v35 =	vadd.f32 v36, v35;
	v36 =	vmul.f32 v37, v15;
	v37 =	vmul.f32 v38, v41;
	v38 =	vld.idx.msk [tilespmem:v44+s15+$0x0], $0xffff  }
0x105: {  	v44 =	vor.u32 $0x16, v34;
	v41 =	vld.idx.msk [tilespmem:v45+s14+$0x0], $0xffff  }
0x106: {  	v35 =	vadd.f32 v36, v35;
	v36 =	vmul.f32 v37, v16;
	v37 =	vmul.f32 v39, v42;
	v39 =	vld.idx.msk [tilespmem:v45+s15+$0x0], $0xffff  }
0x107: {  	v45 =	vor.u32 $0x17, v34;
	v42 =	vld.idx.msk [tilespmem:v47+s14+$0x0], $0xffff  }
0x108: {  	v35 =	vadd.f32 v36, v35;
	v36 =	vmul.f32 v37, v17;
	v37 =	vmul.f32 v40, v46;
	v40 =	vld.idx.msk [tilespmem:v47+s15+$0x0], $0xffff  }
0x109: {  	v47 =	vor.u32 $0x18, v34;
	v46 =	vld.idx.msk [tilespmem:v48+s14+$0x0], $0xffff  }
0x10a: {  	v35 =	vadd.f32 v36, v35;
	v36 =	vmul.f32 v37, v18;
	v37 =	vmul.f32 v38, v43;
	v38 =	vld.idx.msk [tilespmem:v48+s15+$0x0], $0xffff  }
0x10b: {  	v48 =	vor.u32 $0x19, v34;
	v43 =	vld.idx.msk [tilespmem:v44+s14+$0x0], $0xffff  }
0x10c: {  	v35 =	vadd.f32 v36, v35;
	v36 =	vmul.f32 v37, v19;
	v37 =	vmul.f32 v39, v41;
	v39 =	vld.idx.msk [tilespmem:v44+s15+$0x0], $0xffff  }
0x10d: {  	v44 =	vor.u32 $0x1A, v34;
	v41 =	vld.idx.msk [tilespmem:v45+s14+$0x0], $0xffff  }
0x10e: {  	v35 =	vadd.f32 v36, v35;
	v36 =	vmul.f32 v37, v20;
	v37 =	vmul.f32 v40, v42;
	v40 =	vld.idx.msk [tilespmem:v45+s15+$0x0], $0xffff  }
0x10f: {  	v45 =	vor.u32 $0x1B, v34;
	v42 =	vld.idx.msk [tilespmem:v47+s14+$0x0], $0xffff  }
0x110: {  	v35 =	vadd.f32 v36, v35;
	v36 =	vmul.f32 v37, v21;
	v37 =	vmul.f32 v38, v46;
	v38 =	vld.idx.msk [tilespmem:v47+s15+$0x0], $0xffff  }
0x111: {  	v47 =	vor.u32 $0x1C, v34;
	v46 =	vld.idx.msk [tilespmem:v48+s14+$0x0], $0xffff  }
0x112: {  	v35 =	vadd.f32 v36, v35;
	v36 =	vmul.f32 v37, v22;
	v37 =	vmul.f32 v39, v43;
	v39 =	vld.idx.msk [tilespmem:v48+s15+$0x0], $0xffff  }
0x113: {  	v48 =	vor.u32 $0x1D, v34;
	v43 =	vld.idx.msk [tilespmem:v44+s14+$0x0], $0xffff  }
0x114: {  	v35 =	vadd.f32 v36, v35;
	v36 =	vmul.f32 v37, v23;
	v37 =	vmul.f32 v40, v41;
	v40 =	vld.idx.msk [tilespmem:v44+s15+$0x0], $0xffff  }
0x115: {  	v44 =	vor.u32 $0x1E, v34;
	v41 =	vld.idx.msk [tilespmem:v45+s14+$0x0], $0xffff  }
0x116: {  	v35 =	vadd.f32 v36, v35;
	v36 =	vmul.f32 v37, v24;
	v37 =	vmul.f32 v38, v42;
	v38 =	vld.idx.msk [tilespmem:v45+s15+$0x0], $0xffff  }
0x117: {  	v34 =	vor.u32 $0x1F, v34;
	v42 =	vld.idx.msk [tilespmem:v47+s14+$0x0], $0xffff  }
0x118: {  	v35 =	vadd.f32 v36, v35;
	v36 =	vmul.f32 v37, v25;
	v37 =	vmul.f32 v39, v46;
	v39 =	vld.idx.msk [tilespmem:v47+s15+$0x0], $0xffff  }
0x119: {  	v45 =	vld.idx.msk [tilespmem:v48+s14+$0x0], $0xffff  }
0x11a: {  	v35 =	vadd.f32 v36, v35;
	v36 =	vmul.f32 v37, v26;
	v37 =	vmul.f32 v40, v43;
	v40 =	vld.idx.msk [tilespmem:v48+s15+$0x0], $0xffff  }
0x11b: {  	v43 =	vld.idx.msk [tilespmem:v44+s14+$0x0], $0xffff  }
0x11c: {  	v35 =	vadd.f32 v36, v35;
	v36 =	vmul.f32 v37, v27;
	v37 =	vmul.f32 v38, v41;
	v38 =	vld.idx.msk [tilespmem:v44+s15+$0x0], $0xffff  }
0x11d: {  	v41 =	vld.idx.msk [tilespmem:v34+s14+$0x0], $0xffff  }
0x11e: {  	v35 =	vadd.f32 v36, v35;
	v36 =	vmul.f32 v37, v28;
	v37 =	vmul.f32 v39, v42;
	v34 =	vld.idx.msk [tilespmem:v34+s15+$0x0], $0xffff;
	_ =	sdelay $0x1  }
0x11f: {  	v35 =	vadd.f32 v36, v35;
	v36 =	vmul.f32 v37, v29;
	v37 =	vmul.f32 v40, v45;
	_ =	sdelay $0x1  }
0x120: {  	v35 =	vadd.f32 v36, v35;
	v36 =	vmul.f32 v37, v30;
	v37 =	vmul.f32 v38, v43  }
.Ltmp0:
0x121: {  	(pc) =	sbr.rel @p0 .LBB2_2-.Ltmp0, $3  }
0x122: {  	v35 =	vadd.f32 v36, v35;
	v36 =	vmul.f32 v37, v31;
	v34 =	vmul.f32 v34, v41;
	_ =	sdelay $0x1  }
0x123: {  	v37 =	vmov s0;
	v35 =	vadd.f32 v36, v35;
	v36 =	vmul.f32 v34, v32  }
0x124: {  	s0 =	sadd.s32 $0x10, s0;
	v34 =	vshll.u32 v37, $0x5  }
0x125: {  	v34 =	vor.u32 v0, v34;
	v35 =	vadd.f32 v36, v35;
	_ =	sdelay $0x1  }
0x126: {  	v50 =	vor.u32 $0x1, v34;
	v35 =	vadd.f32 v35, v33  }
0x127: {  	s0 =	sadd.s32 $0x10, s31  }
0x128: {  	v37 =	vor.u32 $0x2, v34;
	[tilespmem:s0+$0x0] =	vst v35  }
0x129: {  	v35 =	vld.idx.msk [tilespmem:v34+s15+$0x0], $0xffff  }
0x12a: {  	v39 =	vor.u32 $0x3, v34;
	v38 =	vld.idx.msk [tilespmem:v34+s14+$0x0], $0xffff  }
0x12b: {  	v40 =	vld.idx.msk [tilespmem:v50+s14+$0x0], $0xffff  }
0x12c: {  	v41 =	vor.u32 $0x4, v34;
	v36 =	vld.idx.msk [tilespmem:v50+s15+$0x0], $0xffff  }
0x12d: {  	v42 =	vld.idx.msk [tilespmem:v37+s14+$0x0], $0xffff  }
0x12e: {  	v43 =	vor.u32 $0x5, v34;
	v37 =	vld.idx.msk [tilespmem:v37+s15+$0x0], $0xffff  }
0x12f: {  	v44 =	vld.idx.msk [tilespmem:v39+s14+$0x0], $0xffff;
	v35 =	vmul.f32 v35, v38  }
0x130: {  	v52 =	vor.u32 $0x6, v34;
	v51 =	vld.idx.msk [tilespmem:v39+s15+$0x0], $0xffff  }
0x131: {  	v45 =	vld.idx.msk [tilespmem:v41+s14+$0x0], $0xffff;
	v53 =	vmul.f32 v36, v40;
	v5 =	vmul.f32 v35, v5  }
0x132: {  	v55 =	vor.u32 $0x7, v34;
	v54 =	vld.idx.msk [tilespmem:v41+s15+$0x0], $0xffff  }
0x133: {  	v56 =	vld.idx.msk [tilespmem:v43+s14+$0x0], $0xffff;
	v57 =	vmul.f32 v37, v42;
	v1 =	vmul.f32 v53, v1;
	v5 =	vadd.f32 $0.0e+00, v5  }
0x134: {  	v58 =	vor.u32 $0x8, v34;
	v59 =	vld.idx.msk [tilespmem:v43+s15+$0x0], $0xffff  }
0x135: {  	v60 =	vld.idx.msk [tilespmem:v52+s14+$0x0], $0xffff;
	v61 =	vmul.f32 v51, v44;
	v2 =	vmul.f32 v57, v2;
	v1 =	vadd.f32 v1, v5  }
0x136: {  	v62 =	vor.u32 $0x9, v34;
	v63 =	vld.idx.msk [tilespmem:v52+s15+$0x0], $0xffff  }
0x137: {  	v46 =	vld.idx.msk [tilespmem:v55+s15+$0x0], $0xffff;
	v1 =	vadd.f32 v2, v1;
	v2 =	vmul.f32 v61, v3;
	v3 =	vmul.f32 v54, v45  }
0x138: {  	v44 =	vld.idx.msk [tilespmem:v55+s14+$0x0], $0xffff;
	v45 =	vor.u32 $0xA, v34  }
0x139: {  	v47 =	vld.idx.msk [tilespmem:v58+s14+$0x0], $0xffff;
	v1 =	vadd.f32 v2, v1;
	v2 =	vmul.f32 v3, v4;
	v3 =	vmul.f32 v59, v56  }
0x13a: {  	v48 =	vor.u32 $0xB, v34;
	v37 =	vld.idx.msk [tilespmem:v58+s15+$0x0], $0xffff  }
0x13b: {  	v49 =	vld.idx.msk [tilespmem:v62+s14+$0x0], $0xffff;
	v1 =	vadd.f32 v2, v1;
	v2 =	vmul.f32 v3, v6;
	v3 =	vmul.f32 v63, v60  }
0x13c: {  	v50 =	vor.u32 $0xC, v34;
	v35 =	vld.idx.msk [tilespmem:v62+s15+$0x0], $0xffff  }
0x13d: {  	v51 =	vld.idx.msk [tilespmem:v45+s14+$0x0], $0xffff;
	v1 =	vadd.f32 v2, v1;
	v2 =	vmul.f32 v3, v7;
	v3 =	vmul.f32 v46, v44  }
0x13e: {  	v52 =	vor.u32 $0xD, v34;
	v5 =	vld.idx.msk [tilespmem:v45+s15+$0x0], $0xffff  }
0x13f: {  	v53 =	vld.idx.msk [tilespmem:v48+s14+$0x0], $0xffff;
	v1 =	vadd.f32 v2, v1;
	v2 =	vmul.f32 v3, v8;
	v3 =	vmul.f32 v37, v47  }
0x140: {  	v54 =	vor.u32 $0xE, v34;
	v4 =	vld.idx.msk [tilespmem:v48+s15+$0x0], $0xffff  }
0x141: {  	v55 =	vld.idx.msk [tilespmem:v50+s14+$0x0], $0xffff;
	v1 =	vadd.f32 v2, v1;
	v2 =	vmul.f32 v3, v9;
	v3 =	vmul.f32 v35, v49  }
0x142: {  	v56 =	vor.u32 $0xF, v34;
	v6 =	vld.idx.msk [tilespmem:v50+s15+$0x0], $0xffff  }
0x143: {  	v57 =	vld.idx.msk [tilespmem:v52+s14+$0x0], $0xffff;
	v1 =	vadd.f32 v2, v1;
	v2 =	vmul.f32 v3, v10;
	v3 =	vmul.f32 v5, v51  }
0x144: {  	v58 =	vor.u32 $0x10, v34;
	v7 =	vld.idx.msk [tilespmem:v52+s15+$0x0], $0xffff  }
0x145: {  	v59 =	vld.idx.msk [tilespmem:v54+s14+$0x0], $0xffff;
	v1 =	vadd.f32 v2, v1;
	v2 =	vmul.f32 v3, v11;
	v3 =	vmul.f32 v4, v53  }
0x146: {  	v60 =	vor.u32 $0x11, v34;
	v8 =	vld.idx.msk [tilespmem:v54+s15+$0x0], $0xffff  }
0x147: {  	v61 =	vld.idx.msk [tilespmem:v56+s14+$0x0], $0xffff;
	v1 =	vadd.f32 v2, v1;
	v2 =	vmul.f32 v3, v12;
	v3 =	vmul.f32 v6, v55  }
0x148: {  	v62 =	vor.u32 $0x12, v34;
	v9 =	vld.idx.msk [tilespmem:v56+s15+$0x0], $0xffff  }
0x149: {  	v63 =	vld.idx.msk [tilespmem:v58+s14+$0x0], $0xffff;
	v1 =	vadd.f32 v2, v1;
	v2 =	vmul.f32 v3, v13;
	v3 =	vmul.f32 v7, v57  }
0x14a: {  	v35 =	vor.u32 $0x13, v34;
	v5 =	vld.idx.msk [tilespmem:v58+s15+$0x0], $0xffff  }
0x14b: {  	v36 =	vld.idx.msk [tilespmem:v60+s14+$0x0], $0xffff;
	v1 =	vadd.f32 v2, v1;
	v2 =	vmul.f32 v3, v14;
	v3 =	vmul.f32 v8, v59  }
0x14c: {  	v37 =	vor.u32 $0x14, v34;
	v4 =	vld.idx.msk [tilespmem:v60+s15+$0x0], $0xffff  }
0x14d: {  	v38 =	vld.idx.msk [tilespmem:v62+s14+$0x0], $0xffff;
	v1 =	vadd.f32 v2, v1;
	v2 =	vmul.f32 v3, v15;
	v3 =	vmul.f32 v9, v61  }
0x14e: {  	v39 =	vor.u32 $0x15, v34;
	v6 =	vld.idx.msk [tilespmem:v62+s15+$0x0], $0xffff  }
0x14f: {  	v40 =	vld.idx.msk [tilespmem:v35+s14+$0x0], $0xffff;
	v1 =	vadd.f32 v2, v1;
	v2 =	vmul.f32 v3, v16;
	v3 =	vmul.f32 v5, v63  }
0x150: {  	v41 =	vor.u32 $0x16, v34;
	v7 =	vld.idx.msk [tilespmem:v35+s15+$0x0], $0xffff  }
0x151: {  	v42 =	vld.idx.msk [tilespmem:v37+s14+$0x0], $0xffff;
	v1 =	vadd.f32 v2, v1;
	v2 =	vmul.f32 v3, v17;
	v3 =	vmul.f32 v4, v36  }
0x152: {  	v43 =	vor.u32 $0x17, v34;
	v8 =	vld.idx.msk [tilespmem:v37+s15+$0x0], $0xffff  }
0x153: {  	v44 =	vld.idx.msk [tilespmem:v39+s14+$0x0], $0xffff;
	v1 =	vadd.f32 v2, v1;
	v2 =	vmul.f32 v3, v18;
	v3 =	vmul.f32 v6, v38  }
0x154: {  	v45 =	vor.u32 $0x18, v34;
	v9 =	vld.idx.msk [tilespmem:v39+s15+$0x0], $0xffff  }
0x155: {  	v46 =	vld.idx.msk [tilespmem:v41+s14+$0x0], $0xffff;
	v1 =	vadd.f32 v2, v1;
	v2 =	vmul.f32 v3, v19;
	v3 =	vmul.f32 v7, v40  }
0x156: {  	v47 =	vor.u32 $0x19, v34;
	v5 =	vld.idx.msk [tilespmem:v41+s15+$0x0], $0xffff  }
0x157: {  	v48 =	vld.idx.msk [tilespmem:v43+s14+$0x0], $0xffff;
	v1 =	vadd.f32 v2, v1;
	v2 =	vmul.f32 v3, v20;
	v3 =	vmul.f32 v8, v42  }
0x158: {  	v49 =	vor.u32 $0x1A, v34;
	v4 =	vld.idx.msk [tilespmem:v43+s15+$0x0], $0xffff  }
0x159: {  	v50 =	vld.idx.msk [tilespmem:v45+s14+$0x0], $0xffff;
	v1 =	vadd.f32 v2, v1;
	v2 =	vmul.f32 v3, v21;
	v3 =	vmul.f32 v9, v44  }
0x15a: {  	v51 =	vor.u32 $0x1B, v34;
	v6 =	vld.idx.msk [tilespmem:v45+s15+$0x0], $0xffff  }
0x15b: {  	v52 =	vld.idx.msk [tilespmem:v47+s14+$0x0], $0xffff;
	v1 =	vadd.f32 v2, v1;
	v2 =	vmul.f32 v3, v22;
	v3 =	vmul.f32 v5, v46  }
0x15c: {  	v53 =	vor.u32 $0x1C, v34;
	v7 =	vld.idx.msk [tilespmem:v47+s15+$0x0], $0xffff  }
0x15d: {  	v54 =	vld.idx.msk [tilespmem:v49+s14+$0x0], $0xffff;
	v1 =	vadd.f32 v2, v1;
	v2 =	vmul.f32 v3, v23;
	v3 =	vmul.f32 v4, v48  }
0x15e: {  	v55 =	vor.u32 $0x1D, v34;
	v8 =	vld.idx.msk [tilespmem:v49+s15+$0x0], $0xffff  }
0x15f: {  	v56 =	vld.idx.msk [tilespmem:v51+s14+$0x0], $0xffff;
	v1 =	vadd.f32 v2, v1;
	v2 =	vmul.f32 v3, v24;
	v3 =	vmul.f32 v6, v50  }
0x160: {  	v57 =	vor.u32 $0x1E, v34;
	v9 =	vld.idx.msk [tilespmem:v51+s15+$0x0], $0xffff  }
0x161: {  	v58 =	vld.idx.msk [tilespmem:v53+s14+$0x0], $0xffff;
	v1 =	vadd.f32 v2, v1;
	v2 =	vmul.f32 v3, v25;
	v3 =	vmul.f32 v7, v52  }
0x162: {  	v59 =	vor.u32 $0x1F, v34;
	v5 =	vld.idx.msk [tilespmem:v53+s15+$0x0], $0xffff  }
0x163: {  	v60 =	vld.idx.msk [tilespmem:v55+s14+$0x0], $0xffff;
	v1 =	vadd.f32 v2, v1;
	v2 =	vmul.f32 v3, v26;
	v3 =	vmul.f32 v8, v54  }
0x164: {  	v4 =	vld.idx.msk [tilespmem:v55+s15+$0x0], $0xffff  }
0x165: {  	v61 =	vld.idx.msk [tilespmem:v57+s14+$0x0], $0xffff;
	v1 =	vadd.f32 v2, v1;
	v2 =	vmul.f32 v3, v27;
	v3 =	vmul.f32 v9, v56  }
0x166: {  	v6 =	vld.idx.msk [tilespmem:v57+s15+$0x0], $0xffff  }
0x167: {  	v62 =	vld.idx.msk [tilespmem:v59+s14+$0x0], $0xffff;
	v1 =	vadd.f32 v2, v1;
	v2 =	vmul.f32 v3, v28;
	v3 =	vmul.f32 v5, v58  }
0x168: {  	v63 =	vld.idx.msk [tilespmem:v59+s15+$0x0], $0xffff  }
0x169: {  	v1 =	vadd.f32 v2, v1;
	v2 =	vmul.f32 v3, v29;
	v3 =	vmul.f32 v4, v60;
	_ =	sdelay $0x1  }
0x16a: {  	v1 =	vadd.f32 v2, v1;
	v2 =	vmul.f32 v3, v30;
	v3 =	vmul.f32 v6, v61;
	_ =	sdelay $0x1  }
0x16b: {  	v1 =	vadd.f32 v2, v1;
	v2 =	vmul.f32 v3, v31;
	v3 =	vmul.f32 v63, v62;
	_ =	sdelay $0x1  }
0x16c: {  	v1 =	vadd.f32 v2, v1;
	v2 =	vmul.f32 v3, v32;
	_ =	sdelay $0x1  }
0x16d: {  	v1 =	vadd.f32 v2, v1;
	_ =	sdelay $0x1  }
0x16e: {  	s30 =	sadd.s32 $0x1, s30;
	v1 =	vadd.f32 v1, v33  }
0x16f: {  	p0 =	sne.s32 s30, s9;
	s0 =	sadd.s32 $0x10, s0  }
.Ltmp1:
0x170: {  	[tilespmem:s0+$0x0] =	vst v1;
	(pc) =	sbr.rel @p0 .LBB2_1-.Ltmp1, $4  }
0x171: {  	[hbm4b:s8+s1] =	stream.linear.scatter [tilespmem:s29], [sflag:$0x2], $0x200, $0x38;
	[tilespmem:$0x8630] =	vst v63  }
0x172: {  	_ =	swait.ge [sflag:s10], $0x200  }
0x173: {  	[sflag:s10] =	ssyncset.done $0x0  }
0x174: {  	[sflag:s10] =	ssyncadd.s32 $0xFFFFFE00  }
0x175: {  	_ =	sfence.sel $0x180000  }
0x176: {  	[bflag:$0x0] =	sbarrier.arrive $0xFFFF  }
0x177: {  	_ =	strace $0x90000047  }
0x178: {  	[bflag:$0x2] =	sbarrier.arrive $0xFFFF  }
0x179: {  	p0 =	sne.s32 s2, $0x0;
	s0 =	rddreg [dreg:$0x4]  }
0x17a: {  	s0 =	sadd.s32 @!p0 $0x100000, s0  }
0x17b: {  	[sflag:s0] =	ssyncadd.tile.s32 @!p0 $0x1;
	_ =	shalt  }
.Lfunc_end2:
_tile_overlayer_lowered:
.L_overlay_start_2:
0x17c: {  	(tag) =	ssettag $0x2  }
0x17d: {  	s0 =	rddreg [dreg:$0x0];
	s2 =	stileid.u32  }
0x17e: {  	s1 =	rddreg [dreg:$0x1];
	p0 =	sne.s32 s2, $0x0  }
0x17f: {  	s3 =	rddreg [dreg:$0x2];
	[bflag:$0x3] =	sbarrier.arrive $0xFFFF;
	s2 =	simm.s32 @!p0 $0x1C02  }
0x180: {  	[timem:s3], [sflag:s2] =	dma.local @!p0 [hbm:s0], s1  }
0x181: {  	s0 =	simm.s32 @!p0 $0x2  }
0x182: {  	_ =	swait.ge @!p0 [sflag:s0], s1  }
0x183: {  	s1 =	ssub.s32 @!p0 $0x0, s1;
	[sflag:s0] =	ssyncset.done @!p0 $0x0  }
0x184: {  	[sflag:s0] =	ssyncadd.s32 @!p0 s1  }
0x185: {  	[bflag:$0x3] =	sbarrier.arrive $0xFFFF  }
0x186: {  	_ =	shalt  }

</sc_bundles>
